<compile_context>
chip_gen: v7x
topology: tpu7x:2x2x1
jax: 0.10.2.dev20260603
libtpu: 0.0.44.dev20260713+nightly
codegen_flags: <defaults>
</compile_context>

<pallas_src>
import functools
import jax
import jax.numpy as jnp
from jax import lax
from jax.experimental import pallas as pl
from jax.experimental.pallas import tpu as pltpu
from jax.experimental.pallas import tpu_sc as plsc

_B, _C, _T = 64, 64, 80
_EPS = 1e-9
_NW = 32
_BPW = _B // _NW
_CT = _C * _T


def _newton_sqrt(s):
    u = lax.bitcast_convert_type(s, jnp.int32)
    u = 0x5F3759DF - (u >> 1)
    r = lax.bitcast_convert_type(u, jnp.float32)
    hs = 0.5 * s
    r = r * (1.5 - hs * r * r)
    r = r * (1.5 - hs * r * r)
    return s * r


def _sc_diversity(x, y):
    mesh = plsc.VectorSubcoreMesh(core_axis_name="c", subcore_axis_name="s")

    @functools.partial(
        pl.kernel,
        mesh=mesh,
        out_type=jax.ShapeDtypeStruct((_NW, 16), jnp.float32),
        scratch_types=[
            pltpu.VMEM((_CT,), jnp.float32),
            pltpu.VMEM((_CT,), jnp.float32),
            pltpu.VMEM((16,), jnp.float32),
            pltpu.SemaphoreType.DMA,
        ],
    )
    def sck(x_hbm, y_hbm, out_hbm, xv, yv, accv, sem):
        wid = lax.axis_index("s") * 2 + lax.axis_index("c")
        acc = jnp.zeros((16,), jnp.float32)
        for bi in range(_BPW):
            batch = wid * _BPW + bi
            pltpu.async_copy(x_hbm.at[batch], xv, sem).wait()
            pltpu.async_copy(y_hbm.at[batch], yv, sem).wait()

            def k_body(k, acc_k):
                def r_body(r, acc_r):
                    r2 = jnp.where(r + k < _C, r + k, r + k - _C)
                    o1 = r * _T
                    o2 = r2 * _T
                    a = acc_r
                    for tc in range(_T // 16):
                        dx = (xv[pl.ds(o1 + 16 * tc, 16)]
                              - xv[pl.ds(o2 + 16 * tc, 16)])
                        dy = (yv[pl.ds(o1 + 16 * tc, 16)]
                              - yv[pl.ds(o2 + 16 * tc, 16)])
                        s = dx * dx + dy * dy + _EPS
                        a = a + _newton_sqrt(s)
                    return a

                return lax.fori_loop(0, _C, r_body, acc_k)

            acc = lax.fori_loop(1, _C // 2, k_body, acc)

            def r32_body(r, acc_r):
                r2 = jnp.where(r + _C // 2 < _C, r + _C // 2, r - _C // 2)
                o1 = r * _T
                o2 = r2 * _T
                a = acc_r
                for tc in range(_T // 16):
                    dx = (xv[pl.ds(o1 + 16 * tc, 16)]
                          - xv[pl.ds(o2 + 16 * tc, 16)])
                    dy = (yv[pl.ds(o1 + 16 * tc, 16)]
                          - yv[pl.ds(o2 + 16 * tc, 16)])
                    s = dx * dx + dy * dy + _EPS
                    a = a + 0.5 * _newton_sqrt(s)
                return a

            acc = lax.fori_loop(0, _C, r32_body, acc)
        accv[...] = acc
        pltpu.async_copy(accv, out_hbm.at[wid], sem).wait()

    return sck(x, y)


def kernel(predicted_trajectory):
    traj = predicted_trajectory[..., :2]
    x = traj[..., 0].reshape(_B, _CT)
    y = traj[..., 1].reshape(_B, _CT)
    partials = _sc_diversity(x, y)
    total = 2.0 * jnp.sum(partials)
    scale = -1.0 / (_T * _C * (_C - 1) * _B)
    return total * scale

# --- scband reference (transcript-rebuilt; emitter-appended) ---
"""Pipeline reference for scband-central-loss-24670292148302 (READ-ONLY COPY).

The authoritative reference and input builder live on the scoring server;
editing this copy changes nothing except your own understanding.
"""

import jax, jax.numpy as jnp
import numpy as np

CONFIG = {
    'diversity_all_points': True,
    'diversity_loss_weight': 1.0,
}

def setup_inputs(seed: int = 0) -> dict:
    key = jax.random.key(seed)
    # pred['predicted_trajectory']: (B, C, T, 2) world-frame trajectory coords (meters)
    traj = jax.random.normal(key, (64, 64, 80, 2), dtype=jnp.float32) * 20.0
    return {"predicted_trajectory": traj}

def _diversity_metric(traj, all_points=True):
    # traj: (B, C, T, 2). Pairwise L2 distance between candidate trajectories
    # (all timesteps if diversity_all_points else final point), averaged over
    # off-diagonal mode pairs -> per-batch diversity score (B,).
    if all_points:
        pts = traj
    else:
        pts = traj[:, :, -1:, :]
    diff = pts[:, :, None, :, :] - pts[:, None, :, :, :]  # (B, C, C, T, 2)
    d = jnp.sqrt(jnp.sum(diff * diff, axis=-1) + 1e-9)    # (B, C, C, T)
    d = jnp.mean(d, axis=-1)                              # (B, C, C)
    C = d.shape[1]
    offdiag = 1.0 - jnp.eye(C, dtype=d.dtype)
    per_batch = jnp.sum(d * offdiag[None, :, :], axis=(1, 2)) / (C * (C - 1))
    return per_batch  # (B,)

def reference(predicted_trajectory):
    # CentralLoss.forward with aux_loss_type='diversity',
    # diversity_remove_offroads=False: offroad_loss=None, loss = 0 - diversity * w
    traj = predicted_trajectory[..., :2]
    diversity_loss = _diversity_metric(traj, CONFIG['diversity_all_points'])
    loss = 0.0 - diversity_loss * CONFIG['diversity_loss_weight']
    return loss.mean()

if __name__ == "__main__":
    import jax
    _d = setup_inputs()
    print(jax.jit(kernel)(*tuple(_d.values())))

</pallas_src>

<mosaic_0001>
#map = affine_map<(d0, d1) -> (0, 0)>
module attributes {stable_mosaic.version = 14 : i64} {
  func.func @sck(%arg0: i32, %arg1: i32, %arg2: memref<64x5120xf32, #tpu.memory_space<hbm>>, %arg3: memref<64x5120xf32, #tpu.memory_space<hbm>>, %arg4: memref<32x16xf32, #tpu.memory_space<hbm>>, %arg5: memref<5120xf32, #tpu.memory_space<vmem>>, %arg6: memref<5120xf32, #tpu.memory_space<vmem>>, %arg7: memref<16xf32, #tpu.memory_space<vmem>>, %arg8: memref<!tpu.dma_semaphore, #tpu.memory_space<semaphore_mem>>) attributes {dimension_semantics = [#tpu.dimension_semantics<core_parallel>, #tpu.dimension_semantics<subcore_parallel>], iteration_bounds = array<i64: 2, 16>, scalar_prefetch = 0 : i64, scratch_operands = 4 : i64, tpu.core_type = #tpu.core_type<sc_vector_subcore>, window_params = [{transform_indices = #map}, {transform_indices = #map}, {transform_indices = #map}]} {
    %mul3A = arith.constant 2 : i32
    %mul3A_0 = arith.muli %arg1, %mul3A : i32
    %add3A = arith.addi %mul3A_0, %arg0 : i32
    %broadcast_in_dim3A = arith.constant 0.000000e+00 : f32
    %broadcast_in_dim3A_1 = vector.broadcast %broadcast_in_dim3A : f32 to vector<16xf32>
    %mul3A_2 = arith.constant 2 : i32
    %mul3A_3 = arith.muli %add3A, %mul3A_2 : i32
    %add3A_4 = arith.constant 0 : i32
    %add3A_5 = arith.addi %mul3A_3, %add3A_4 : i32
    %dma_start3A = arith.constant 0 : i32
    %dma_start3A_6 = tpu.memref_slice %arg2[%add3A_5, %dma_start3A] : memref<64x5120xf32, #tpu.memory_space<hbm>> -> memref<1x5120xf32, #tpu.memory_space<hbm>>
    %dma_start3A_7 = tpu.memref_squeeze %dma_start3A_6 : memref<1x5120xf32, #tpu.memory_space<hbm>> -> memref<5120xf32, #tpu.memory_space<hbm>>
    %dma_start3A_8 = arith.constant 0 : i32
    %dma_start3A_9 = tpu.memref_slice %arg2[%add3A_5, %dma_start3A_8] : memref<64x5120xf32, #tpu.memory_space<hbm>> -> memref<1x5120xf32, #tpu.memory_space<hbm>>
    %dma_start3A_10 = tpu.memref_squeeze %dma_start3A_9 : memref<1x5120xf32, #tpu.memory_space<hbm>> -> memref<5120xf32, #tpu.memory_space<hbm>>
    tpu.enqueue_dma source(%dma_start3A_10 : memref<5120xf32, #tpu.memory_space<hbm>>) target(%arg5 : memref<5120xf32, #tpu.memory_space<vmem>>) target_semaphore(%arg8 : memref<!tpu.dma_semaphore, #tpu.memory_space<semaphore_mem>>)
    %dma_wait3A = arith.constant 0 : i32
    %dma_wait3A_11 = tpu.memref_slice %arg2[%add3A_5, %dma_wait3A] : memref<64x5120xf32, #tpu.memory_space<hbm>> -> memref<1x5120xf32, #tpu.memory_space<hbm>>
    %dma_wait3A_12 = tpu.memref_squeeze %dma_wait3A_11 : memref<1x5120xf32, #tpu.memory_space<hbm>> -> memref<5120xf32, #tpu.memory_space<hbm>>
    %dma_wait3A_13 = arith.constant 0 : i32
    %dma_wait3A_14 = tpu.memref_slice %arg2[%add3A_5, %dma_wait3A_13] : memref<64x5120xf32, #tpu.memory_space<hbm>> -> memref<1x5120xf32, #tpu.memory_space<hbm>>
    %dma_wait3A_15 = tpu.memref_squeeze %dma_wait3A_14 : memref<1x5120xf32, #tpu.memory_space<hbm>> -> memref<5120xf32, #tpu.memory_space<hbm>>
    tpu.wait_dma2 semaphore(%arg8 : memref<!tpu.dma_semaphore, #tpu.memory_space<semaphore_mem>>) src(%dma_wait3A_15 : memref<5120xf32, #tpu.memory_space<hbm>>) dst(%arg5 : memref<5120xf32, #tpu.memory_space<vmem>>)
    %dma_start3A_16 = arith.constant 0 : i32
    %dma_start3A_17 = tpu.memref_slice %arg3[%add3A_5, %dma_start3A_16] : memref<64x5120xf32, #tpu.memory_space<hbm>> -> memref<1x5120xf32, #tpu.memory_space<hbm>>
    %dma_start3A_18 = tpu.memref_squeeze %dma_start3A_17 : memref<1x5120xf32, #tpu.memory_space<hbm>> -> memref<5120xf32, #tpu.memory_space<hbm>>
    %dma_start3A_19 = arith.constant 0 : i32
    %dma_start3A_20 = tpu.memref_slice %arg3[%add3A_5, %dma_start3A_19] : memref<64x5120xf32, #tpu.memory_space<hbm>> -> memref<1x5120xf32, #tpu.memory_space<hbm>>
    %dma_start3A_21 = tpu.memref_squeeze %dma_start3A_20 : memref<1x5120xf32, #tpu.memory_space<hbm>> -> memref<5120xf32, #tpu.memory_space<hbm>>
    tpu.enqueue_dma source(%dma_start3A_21 : memref<5120xf32, #tpu.memory_space<hbm>>) target(%arg6 : memref<5120xf32, #tpu.memory_space<vmem>>) target_semaphore(%arg8 : memref<!tpu.dma_semaphore, #tpu.memory_space<semaphore_mem>>)
    %dma_wait3A_22 = arith.constant 0 : i32
    %dma_wait3A_23 = tpu.memref_slice %arg3[%add3A_5, %dma_wait3A_22] : memref<64x5120xf32, #tpu.memory_space<hbm>> -> memref<1x5120xf32, #tpu.memory_space<hbm>>
    %dma_wait3A_24 = tpu.memref_squeeze %dma_wait3A_23 : memref<1x5120xf32, #tpu.memory_space<hbm>> -> memref<5120xf32, #tpu.memory_space<hbm>>
    %dma_wait3A_25 = arith.constant 0 : i32
    %dma_wait3A_26 = tpu.memref_slice %arg3[%add3A_5, %dma_wait3A_25] : memref<64x5120xf32, #tpu.memory_space<hbm>> -> memref<1x5120xf32, #tpu.memory_space<hbm>>
    %dma_wait3A_27 = tpu.memref_squeeze %dma_wait3A_26 : memref<1x5120xf32, #tpu.memory_space<hbm>> -> memref<5120xf32, #tpu.memory_space<hbm>>
    tpu.wait_dma2 semaphore(%arg8 : memref<!tpu.dma_semaphore, #tpu.memory_space<semaphore_mem>>) src(%dma_wait3A_27 : memref<5120xf32, #tpu.memory_space<hbm>>) dst(%arg6 : memref<5120xf32, #tpu.memory_space<vmem>>)
    %scan3A = arith.constant 1 : i32
    %scan3A_28 = arith.constant 31 : i32
    %scan3A_29 = arith.addi %scan3A, %scan3A_28 : i32
    %scan3A_30 = arith.constant 1 : i32
    %scan3A_31 = scf.for %scan3A_94 = %scan3A to %scan3A_29 step %scan3A_30 iter_args(%scan3A_95 = %broadcast_in_dim3A_1) -> (vector<16xf32>)  : i32 {
      %scan3A_96 = arith.constant 0 : i32
      %scan3A_97 = arith.constant 64 : i32
      %scan3A_98 = arith.addi %scan3A_96, %scan3A_97 : i32
      %scan3A_99 = arith.constant 1 : i32
      %scan3A_100 = scf.for %scan3A_102 = %scan3A_96 to %scan3A_98 step %scan3A_99 iter_args(%scan3A_103 = %scan3A_95) -> (vector<16xf32>)  : i32 {
        %add3A_104 = arith.addi %scan3A_102, %scan3A_94 : i32
        %lt3A = arith.constant 64 : i32
        %lt3A_105 = arith.cmpi slt, %add3A_104, %lt3A : i32
        %add3A_106 = arith.addi %scan3A_102, %scan3A_94 : i32
        %add3A_107 = arith.addi %scan3A_102, %scan3A_94 : i32
        %sub3A = arith.constant 64 : i32
        %sub3A_108 = arith.subi %add3A_107, %sub3A : i32
        %select_n3A = arith.select %lt3A_105, %add3A_106, %sub3A_108 : i32
        %mul3A_109 = arith.constant 80 : i32
        %mul3A_110 = arith.muli %scan3A_102, %mul3A_109 : i32
        %mul3A_111 = arith.constant 80 : i32
        %mul3A_112 = arith.muli %select_n3A, %mul3A_111 : i32
        %add3A_113 = arith.constant 0 : i32
        %add3A_114 = arith.addi %mul3A_110, %add3A_113 : i32
        %get3A = arith.index_cast %add3A_114 : i32 to index
        %get3A_115 = tpu.vector_load %arg5[%get3A] {strides = array<i32>} : memref<5120xf32, #tpu.memory_space<vmem>>, vector<16xf32>,
        %get3A_116 = vector.shape_cast %get3A_115 : vector<16xf32> to vector<16xf32>
        %add3A_117 = arith.constant 0 : i32
        %add3A_118 = arith.addi %mul3A_112, %add3A_117 : i32
        %get3A_119 = arith.index_cast %add3A_118 : i32 to index
        %get3A_120 = tpu.vector_load %arg5[%get3A_119] {strides = array<i32>} : memref<5120xf32, #tpu.memory_space<vmem>>, vector<16xf32>,
        %get3A_121 = vector.shape_cast %get3A_120 : vector<16xf32> to vector<16xf32>
        %sub3A_122 = arith.subf %get3A_116, %get3A_121 : vector<16xf32>
        %add3A_123 = arith.constant 0 : i32
        %add3A_124 = arith.addi %mul3A_110, %add3A_123 : i32
        %get3A_125 = arith.index_cast %add3A_124 : i32 to index
        %get3A_126 = tpu.vector_load %arg6[%get3A_125] {strides = array<i32>} : memref<5120xf32, #tpu.memory_space<vmem>>, vector<16xf32>,
        %get3A_127 = vector.shape_cast %get3A_126 : vector<16xf32> to vector<16xf32>
        %add3A_128 = arith.constant 0 : i32
        %add3A_129 = arith.addi %mul3A_112, %add3A_128 : i32
        %get3A_130 = arith.index_cast %add3A_129 : i32 to index
        %get3A_131 = tpu.vector_load %arg6[%get3A_130] {strides = array<i32>} : memref<5120xf32, #tpu.memory_space<vmem>>, vector<16xf32>,
        %get3A_132 = vector.shape_cast %get3A_131 : vector<16xf32> to vector<16xf32>
        %sub3A_133 = arith.subf %get3A_127, %get3A_132 : vector<16xf32>
        %mul3A_134 = arith.mulf %sub3A_122, %sub3A_122 : vector<16xf32>
        %mul3A_135 = arith.mulf %sub3A_133, %sub3A_133 : vector<16xf32>
        %add3A_136 = arith.addf %mul3A_134, %mul3A_135 : vector<16xf32>
        %add3A_137 = arith.constant 9.99999971E-10 : f32
        %add3A_138 = vector.broadcast %add3A_137 : f32 to vector<16xf32>
        %add3A_139 = arith.addf %add3A_136, %add3A_138 : vector<16xf32>
        %bitcast_convert_type3A = tpu.bitcast %add3A_139 : vector<16xf32> -> vector<16xi32>
        %shift_right_arithmetic3A = arith.constant 1 : i32
        %shift_right_arithmetic3A_140 = vector.broadcast %shift_right_arithmetic3A : i32 to vector<16xi32>
        %shift_right_arithmetic3A_141 = arith.shrsi %bitcast_convert_type3A, %shift_right_arithmetic3A_140 : vector<16xi32>
        %sub3A_142 = arith.constant 1597463007 : i32
        %sub3A_143 = vector.broadcast %sub3A_142 : i32 to vector<16xi32>
        %sub3A_144 = arith.subi %sub3A_143, %shift_right_arithmetic3A_141 : vector<16xi32>
        %bitcast_convert_type3A_145 = tpu.bitcast %sub3A_144 : vector<16xi32> -> vector<16xf32>
        %mul3A_146 = arith.constant 5.000000e-01 : f32
        %mul3A_147 = vector.broadcast %mul3A_146 : f32 to vector<16xf32>
        %mul3A_148 = arith.mulf %mul3A_147, %add3A_139 : vector<16xf32>
        %mul3A_149 = arith.mulf %mul3A_148, %bitcast_convert_type3A_145 : vector<16xf32>
        %mul3A_150 = arith.mulf %mul3A_149, %bitcast_convert_type3A_145 : vector<16xf32>
        %sub3A_151 = arith.constant 1.500000e+00 : f32
        %sub3A_152 = vector.broadcast %sub3A_151 : f32 to vector<16xf32>
        %sub3A_153 = arith.subf %sub3A_152, %mul3A_150 : vector<16xf32>
        %mul3A_154 = arith.mulf %bitcast_convert_type3A_145, %sub3A_153 : vector<16xf32>
        %mul3A_155 = arith.mulf %mul3A_148, %mul3A_154 : vector<16xf32>
        %mul3A_156 = arith.mulf %mul3A_155, %mul3A_154 : vector<16xf32>
        %sub3A_157 = arith.constant 1.500000e+00 : f32
        %sub3A_158 = vector.broadcast %sub3A_157 : f32 to vector<16xf32>
        %sub3A_159 = arith.subf %sub3A_158, %mul3A_156 : vector<16xf32>
        %mul3A_160 = arith.mulf %mul3A_154, %sub3A_159 : vector<16xf32>
        %mul3A_161 = arith.mulf %add3A_139, %mul3A_160 : vector<16xf32>
        %add3A_162 = arith.addf %scan3A_103, %mul3A_161 : vector<16xf32>
        %add3A_163 = arith.constant 16 : i32
        %add3A_164 = arith.addi %mul3A_110, %add3A_163 : i32
        %get3A_165 = arith.index_cast %add3A_164 : i32 to index
        %get3A_166 = tpu.vector_load %arg5[%get3A_165] {strides = array<i32>} : memref<5120xf32, #tpu.memory_space<vmem>>, vector<16xf32>,
        %get3A_167 = vector.shape_cast %get3A_166 : vector<16xf32> to vector<16xf32>
        %add3A_168 = arith.constant 16 : i32
        %add3A_169 = arith.addi %mul3A_112, %add3A_168 : i32
        %get3A_170 = arith.index_cast %add3A_169 : i32 to index
        %get3A_171 = tpu.vector_load %arg5[%get3A_170] {strides = array<i32>} : memref<5120xf32, #tpu.memory_space<vmem>>, vector<16xf32>,
        %get3A_172 = vector.shape_cast %get3A_171 : vector<16xf32> to vector<16xf32>
        %sub3A_173 = arith.subf %get3A_167, %get3A_172 : vector<16xf32>
        %add3A_174 = arith.constant 16 : i32
        %add3A_175 = arith.addi %mul3A_110, %add3A_174 : i32
        %get3A_176 = arith.index_cast %add3A_175 : i32 to index
        %get3A_177 = tpu.vector_load %arg6[%get3A_176] {strides = array<i32>} : memref<5120xf32, #tpu.memory_space<vmem>>, vector<16xf32>,
        %get3A_178 = vector.shape_cast %get3A_177 : vector<16xf32> to vector<16xf32>
        %add3A_179 = arith.constant 16 : i32
        %add3A_180 = arith.addi %mul3A_112, %add3A_179 : i32
        %get3A_181 = arith.index_cast %add3A_180 : i32 to index
        %get3A_182 = tpu.vector_load %arg6[%get3A_181] {strides = array<i32>} : memref<5120xf32, #tpu.memory_space<vmem>>, vector<16xf32>,
        %get3A_183 = vector.shape_cast %get3A_182 : vector<16xf32> to vector<16xf32>
        %sub3A_184 = arith.subf %get3A_178, %get3A_183 : vector<16xf32>
        %mul3A_185 = arith.mulf %sub3A_173, %sub3A_173 : vector<16xf32>
        %mul3A_186 = arith.mulf %sub3A_184, %sub3A_184 : vector<16xf32>
        %add3A_187 = arith.addf %mul3A_185, %mul3A_186 : vector<16xf32>
        %add3A_188 = arith.constant 9.99999971E-10 : f32
        %add3A_189 = vector.broadcast %add3A_188 : f32 to vector<16xf32>
        %add3A_190 = arith.addf %add3A_187, %add3A_189 : vector<16xf32>
        %bitcast_convert_type3A_191 = tpu.bitcast %add3A_190 : vector<16xf32> -> vector<16xi32>
        %shift_right_arithmetic3A_192 = arith.constant 1 : i32
        %shift_right_arithmetic3A_193 = vector.broadcast %shift_right_arithmetic3A_192 : i32 to vector<16xi32>
        %shift_right_arithmetic3A_194 = arith.shrsi %bitcast_convert_type3A_191, %shift_right_arithmetic3A_193 : vector<16xi32>
        %sub3A_195 = arith.constant 1597463007 : i32
        %sub3A_196 = vector.broadcast %sub3A_195 : i32 to vector<16xi32>
        %sub3A_197 = arith.subi %sub3A_196, %shift_right_arithmetic3A_194 : vector<16xi32>
        %bitcast_convert_type3A_198 = tpu.bitcast %sub3A_197 : vector<16xi32> -> vector<16xf32>
        %mul3A_199 = arith.constant 5.000000e-01 : f32
        %mul3A_200 = vector.broadcast %mul3A_199 : f32 to vector<16xf32>
        %mul3A_201 = arith.mulf %mul3A_200, %add3A_190 : vector<16xf32>
        %mul3A_202 = arith.mulf %mul3A_201, %bitcast_convert_type3A_198 : vector<16xf32>
        %mul3A_203 = arith.mulf %mul3A_202, %bitcast_convert_type3A_198 : vector<16xf32>
        %sub3A_204 = arith.constant 1.500000e+00 : f32
        %sub3A_205 = vector.broadcast %sub3A_204 : f32 to vector<16xf32>
        %sub3A_206 = arith.subf %sub3A_205, %mul3A_203 : vector<16xf32>
        %mul3A_207 = arith.mulf %bitcast_convert_type3A_198, %sub3A_206 : vector<16xf32>
        %mul3A_208 = arith.mulf %mul3A_201, %mul3A_207 : vector<16xf32>
        %mul3A_209 = arith.mulf %mul3A_208, %mul3A_207 : vector<16xf32>
        %sub3A_210 = arith.constant 1.500000e+00 : f32
        %sub3A_211 = vector.broadcast %sub3A_210 : f32 to vector<16xf32>
        %sub3A_212 = arith.subf %sub3A_211, %mul3A_209 : vector<16xf32>
        %mul3A_213 = arith.mulf %mul3A_207, %sub3A_212 : vector<16xf32>
        %mul3A_214 = arith.mulf %add3A_190, %mul3A_213 : vector<16xf32>
        %add3A_215 = arith.addf %add3A_162, %mul3A_214 : vector<16xf32>
        %add3A_216 = arith.constant 32 : i32
        %add3A_217 = arith.addi %mul3A_110, %add3A_216 : i32
        %get3A_218 = arith.index_cast %add3A_217 : i32 to index
        %get3A_219 = tpu.vector_load %arg5[%get3A_218] {strides = array<i32>} : memref<5120xf32, #tpu.memory_space<vmem>>, vector<16xf32>,
        %get3A_220 = vector.shape_cast %get3A_219 : vector<16xf32> to vector<16xf32>
        %add3A_221 = arith.constant 32 : i32
        %add3A_222 = arith.addi %mul3A_112, %add3A_221 : i32
        %get3A_223 = arith.index_cast %add3A_222 : i32 to index
        %get3A_224 = tpu.vector_load %arg5[%get3A_223] {strides = array<i32>} : memref<5120xf32, #tpu.memory_space<vmem>>, vector<16xf32>,
        %get3A_225 = vector.shape_cast %get3A_224 : vector<16xf32> to vector<16xf32>
        %sub3A_226 = arith.subf %get3A_220, %get3A_225 : vector<16xf32>
        %add3A_227 = arith.constant 32 : i32
        %add3A_228 = arith.addi %mul3A_110, %add3A_227 : i32
        %get3A_229 = arith.index_cast %add3A_228 : i32 to index
        %get3A_230 = tpu.vector_load %arg6[%get3A_229] {strides = array<i32>} : memref<5120xf32, #tpu.memory_space<vmem>>, vector<16xf32>,
        %get3A_231 = vector.shape_cast %get3A_230 : vector<16xf32> to vector<16xf32>
        %add3A_232 = arith.constant 32 : i32
        %add3A_233 = arith.addi %mul3A_112, %add3A_232 : i32
        %get3A_234 = arith.index_cast %add3A_233 : i32 to index
        %get3A_235 = tpu.vector_load %arg6[%get3A_234] {strides = array<i32>} : memref<5120xf32, #tpu.memory_space<vmem>>, vector<16xf32>,
        %get3A_236 = vector.shape_cast %get3A_235 : vector<16xf32> to vector<16xf32>
        %sub3A_237 = arith.subf %get3A_231, %get3A_236 : vector<16xf32>
        %mul3A_238 = arith.mulf %sub3A_226, %sub3A_226 : vector<16xf32>
        %mul3A_239 = arith.mulf %sub3A_237, %sub3A_237 : vector<16xf32>
        %add3A_240 = arith.addf %mul3A_238, %mul3A_239 : vector<16xf32>
        %add3A_241 = arith.constant 9.99999971E-10 : f32
        %add3A_242 = vector.broadcast %add3A_241 : f32 to vector<16xf32>
        %add3A_243 = arith.addf %add3A_240, %add3A_242 : vector<16xf32>
        %bitcast_convert_type3A_244 = tpu.bitcast %add3A_243 : vector<16xf32> -> vector<16xi32>
        %shift_right_arithmetic3A_245 = arith.constant 1 : i32
        %shift_right_arithmetic3A_246 = vector.broadcast %shift_right_arithmetic3A_245 : i32 to vector<16xi32>
        %shift_right_arithmetic3A_247 = arith.shrsi %bitcast_convert_type3A_244, %shift_right_arithmetic3A_246 : vector<16xi32>
        %sub3A_248 = arith.constant 1597463007 : i32
        %sub3A_249 = vector.broadcast %sub3A_248 : i32 to vector<16xi32>
        %sub3A_250 = arith.subi %sub3A_249, %shift_right_arithmetic3A_247 : vector<16xi32>
        %bitcast_convert_type3A_251 = tpu.bitcast %sub3A_250 : vector<16xi32> -> vector<16xf32>
        %mul3A_252 = arith.constant 5.000000e-01 : f32
        %mul3A_253 = vector.broadcast %mul3A_252 : f32 to vector<16xf32>
        %mul3A_254 = arith.mulf %mul3A_253, %add3A_243 : vector<16xf32>
        %mul3A_255 = arith.mulf %mul3A_254, %bitcast_convert_type3A_251 : vector<16xf32>
        %mul3A_256 = arith.mulf %mul3A_255, %bitcast_convert_type3A_251 : vector<16xf32>
        %sub3A_257 = arith.constant 1.500000e+00 : f32
        %sub3A_258 = vector.broadcast %sub3A_257 : f32 to vector<16xf32>
        %sub3A_259 = arith.subf %sub3A_258, %mul3A_256 : vector<16xf32>
        %mul3A_260 = arith.mulf %bitcast_convert_type3A_251, %sub3A_259 : vector<16xf32>
        %mul3A_261 = arith.mulf %mul3A_254, %mul3A_260 : vector<16xf32>
        %mul3A_262 = arith.mulf %mul3A_261, %mul3A_260 : vector<16xf32>
        %sub3A_263 = arith.constant 1.500000e+00 : f32
        %sub3A_264 = vector.broadcast %sub3A_263 : f32 to vector<16xf32>
        %sub3A_265 = arith.subf %sub3A_264, %mul3A_262 : vector<16xf32>
        %mul3A_266 = arith.mulf %mul3A_260, %sub3A_265 : vector<16xf32>
        %mul3A_267 = arith.mulf %add3A_243, %mul3A_266 : vector<16xf32>
        %add3A_268 = arith.addf %add3A_215, %mul3A_267 : vector<16xf32>
        %add3A_269 = arith.constant 48 : i32
        %add3A_270 = arith.addi %mul3A_110, %add3A_269 : i32
        %get3A_271 = arith.index_cast %add3A_270 : i32 to index
        %get3A_272 = tpu.vector_load %arg5[%get3A_271] {strides = array<i32>} : memref<5120xf32, #tpu.memory_space<vmem>>, vector<16xf32>,
        %get3A_273 = vector.shape_cast %get3A_272 : vector<16xf32> to vector<16xf32>
        %add3A_274 = arith.constant 48 : i32
        %add3A_275 = arith.addi %mul3A_112, %add3A_274 : i32
        %get3A_276 = arith.index_cast %add3A_275 : i32 to index
        %get3A_277 = tpu.vector_load %arg5[%get3A_276] {strides = array<i32>} : memref<5120xf32, #tpu.memory_space<vmem>>, vector<16xf32>,
        %get3A_278 = vector.shape_cast %get3A_277 : vector<16xf32> to vector<16xf32>
        %sub3A_279 = arith.subf %get3A_273, %get3A_278 : vector<16xf32>
        %add3A_280 = arith.constant 48 : i32
        %add3A_281 = arith.addi %mul3A_110, %add3A_280 : i32
        %get3A_282 = arith.index_cast %add3A_281 : i32 to index
        %get3A_283 = tpu.vector_load %arg6[%get3A_282] {strides = array<i32>} : memref<5120xf32, #tpu.memory_space<vmem>>, vector<16xf32>,
        %get3A_284 = vector.shape_cast %get3A_283 : vector<16xf32> to vector<16xf32>
        %add3A_285 = arith.constant 48 : i32
        %add3A_286 = arith.addi %mul3A_112, %add3A_285 : i32
        %get3A_287 = arith.index_cast %add3A_286 : i32 to index
        %get3A_288 = tpu.vector_load %arg6[%get3A_287] {strides = array<i32>} : memref<5120xf32, #tpu.memory_space<vmem>>, vector<16xf32>,
        %get3A_289 = vector.shape_cast %get3A_288 : vector<16xf32> to vector<16xf32>
        %sub3A_290 = arith.subf %get3A_284, %get3A_289 : vector<16xf32>
        %mul3A_291 = arith.mulf %sub3A_279, %sub3A_279 : vector<16xf32>
        %mul3A_292 = arith.mulf %sub3A_290, %sub3A_290 : vector<16xf32>
        %add3A_293 = arith.addf %mul3A_291, %mul3A_292 : vector<16xf32>
        %add3A_294 = arith.constant 9.99999971E-10 : f32
        %add3A_295 = vector.broadcast %add3A_294 : f32 to vector<16xf32>
        %add3A_296 = arith.addf %add3A_293, %add3A_295 : vector<16xf32>
        %bitcast_convert_type3A_297 = tpu.bitcast %add3A_296 : vector<16xf32> -> vector<16xi32>
        %shift_right_arithmetic3A_298 = arith.constant 1 : i32
        %shift_right_arithmetic3A_299 = vector.broadcast %shift_right_arithmetic3A_298 : i32 to vector<16xi32>
        %shift_right_arithmetic3A_300 = arith.shrsi %bitcast_convert_type3A_297, %shift_right_arithmetic3A_299 : vector<16xi32>
        %sub3A_301 = arith.constant 1597463007 : i32
        %sub3A_302 = vector.broadcast %sub3A_301 : i32 to vector<16xi32>
        %sub3A_303 = arith.subi %sub3A_302, %shift_right_arithmetic3A_300 : vector<16xi32>
        %bitcast_convert_type3A_304 = tpu.bitcast %sub3A_303 : vector<16xi32> -> vector<16xf32>
        %mul3A_305 = arith.constant 5.000000e-01 : f32
        %mul3A_306 = vector.broadcast %mul3A_305 : f32 to vector<16xf32>
        %mul3A_307 = arith.mulf %mul3A_306, %add3A_296 : vector<16xf32>
        %mul3A_308 = arith.mulf %mul3A_307, %bitcast_convert_type3A_304 : vector<16xf32>
        %mul3A_309 = arith.mulf %mul3A_308, %bitcast_convert_type3A_304 : vector<16xf32>
        %sub3A_310 = arith.constant 1.500000e+00 : f32
        %sub3A_311 = vector.broadcast %sub3A_310 : f32 to vector<16xf32>
        %sub3A_312 = arith.subf %sub3A_311, %mul3A_309 : vector<16xf32>
        %mul3A_313 = arith.mulf %bitcast_convert_type3A_304, %sub3A_312 : vector<16xf32>
        %mul3A_314 = arith.mulf %mul3A_307, %mul3A_313 : vector<16xf32>
        %mul3A_315 = arith.mulf %mul3A_314, %mul3A_313 : vector<16xf32>
        %sub3A_316 = arith.constant 1.500000e+00 : f32
        %sub3A_317 = vector.broadcast %sub3A_316 : f32 to vector<16xf32>
        %sub3A_318 = arith.subf %sub3A_317, %mul3A_315 : vector<16xf32>
        %mul3A_319 = arith.mulf %mul3A_313, %sub3A_318 : vector<16xf32>
        %mul3A_320 = arith.mulf %add3A_296, %mul3A_319 : vector<16xf32>
        %add3A_321 = arith.addf %add3A_268, %mul3A_320 : vector<16xf32>
        %add3A_322 = arith.constant 64 : i32
        %add3A_323 = arith.addi %mul3A_110, %add3A_322 : i32
        %get3A_324 = arith.index_cast %add3A_323 : i32 to index
        %get3A_325 = tpu.vector_load %arg5[%get3A_324] {strides = array<i32>} : memref<5120xf32, #tpu.memory_space<vmem>>, vector<16xf32>,
        %get3A_326 = vector.shape_cast %get3A_325 : vector<16xf32> to vector<16xf32>
        %add3A_327 = arith.constant 64 : i32
        %add3A_328 = arith.addi %mul3A_112, %add3A_327 : i32
        %get3A_329 = arith.index_cast %add3A_328 : i32 to index
        %get3A_330 = tpu.vector_load %arg5[%get3A_329] {strides = array<i32>} : memref<5120xf32, #tpu.memory_space<vmem>>, vector<16xf32>,
        %get3A_331 = vector.shape_cast %get3A_330 : vector<16xf32> to vector<16xf32>
        %sub3A_332 = arith.subf %get3A_326, %get3A_331 : vector<16xf32>
        %add3A_333 = arith.constant 64 : i32
        %add3A_334 = arith.addi %mul3A_110, %add3A_333 : i32
        %get3A_335 = arith.index_cast %add3A_334 : i32 to index
        %get3A_336 = tpu.vector_load %arg6[%get3A_335] {strides = array<i32>} : memref<5120xf32, #tpu.memory_space<vmem>>, vector<16xf32>,
        %get3A_337 = vector.shape_cast %get3A_336 : vector<16xf32> to vector<16xf32>
        %add3A_338 = arith.constant 64 : i32
        %add3A_339 = arith.addi %mul3A_112, %add3A_338 : i32
        %get3A_340 = arith.index_cast %add3A_339 : i32 to index
        %get3A_341 = tpu.vector_load %arg6[%get3A_340] {strides = array<i32>} : memref<5120xf32, #tpu.memory_space<vmem>>, vector<16xf32>,
        %get3A_342 = vector.shape_cast %get3A_341 : vector<16xf32> to vector<16xf32>
        %sub3A_343 = arith.subf %get3A_337, %get3A_342 : vector<16xf32>
        %mul3A_344 = arith.mulf %sub3A_332, %sub3A_332 : vector<16xf32>
        %mul3A_345 = arith.mulf %sub3A_343, %sub3A_343 : vector<16xf32>
        %add3A_346 = arith.addf %mul3A_344, %mul3A_345 : vector<16xf32>
        %add3A_347 = arith.constant 9.99999971E-10 : f32
        %add3A_348 = vector.broadcast %add3A_347 : f32 to vector<16xf32>
        %add3A_349 = arith.addf %add3A_346, %add3A_348 : vector<16xf32>
        %bitcast_convert_type3A_350 = tpu.bitcast %add3A_349 : vector<16xf32> -> vector<16xi32>
        %shift_right_arithmetic3A_351 = arith.constant 1 : i32
        %shift_right_arithmetic3A_352 = vector.broadcast %shift_right_arithmetic3A_351 : i32 to vector<16xi32>
        %shift_right_arithmetic3A_353 = arith.shrsi %bitcast_convert_type3A_350, %shift_right_arithmetic3A_352 : vector<16xi32>
        %sub3A_354 = arith.constant 1597463007 : i32
        %sub3A_355 = vector.broadcast %sub3A_354 : i32 to vector<16xi32>
        %sub3A_356 = arith.subi %sub3A_355, %shift_right_arithmetic3A_353 : vector<16xi32>
        %bitcast_convert_type3A_357 = tpu.bitcast %sub3A_356 : vector<16xi32> -> vector<16xf32>
        %mul3A_358 = arith.constant 5.000000e-01 : f32
        %mul3A_359 = vector.broadcast %mul3A_358 : f32 to vector<16xf32>
        %mul3A_360 = arith.mulf %mul3A_359, %add3A_349 : vector<16xf32>
        %mul3A_361 = arith.mulf %mul3A_360, %bitcast_convert_type3A_357 : vector<16xf32>
        %mul3A_362 = arith.mulf %mul3A_361, %bitcast_convert_type3A_357 : vector<16xf32>
        %sub3A_363 = arith.constant 1.500000e+00 : f32
        %sub3A_364 = vector.broadcast %sub3A_363 : f32 to vector<16xf32>
        %sub3A_365 = arith.subf %sub3A_364, %mul3A_362 : vector<16xf32>
        %mul3A_366 = arith.mulf %bitcast_convert_type3A_357, %sub3A_365 : vector<16xf32>
        %mul3A_367 = arith.mulf %mul3A_360, %mul3A_366 : vector<16xf32>
        %mul3A_368 = arith.mulf %mul3A_367, %mul3A_366 : vector<16xf32>
        %sub3A_369 = arith.constant 1.500000e+00 : f32
        %sub3A_370 = vector.broadcast %sub3A_369 : f32 to vector<16xf32>
        %sub3A_371 = arith.subf %sub3A_370, %mul3A_368 : vector<16xf32>
        %mul3A_372 = arith.mulf %mul3A_366, %sub3A_371 : vector<16xf32>
        %mul3A_373 = arith.mulf %add3A_349, %mul3A_372 : vector<16xf32>
        %add3A_374 = arith.addf %add3A_321, %mul3A_373 : vector<16xf32>
        scf.yield %add3A_374 : vector<16xf32>
      }
      %scan3A_101 = arith.constant 64 : i32
      scf.yield %scan3A_100 : vector<16xf32>
    }
    %scan3A_32 = arith.constant 31 : i32
    %scan3A_33 = arith.constant 0 : i32
    %scan3A_34 = arith.constant 64 : i32
    %scan3A_35 = arith.addi %scan3A_33, %scan3A_34 : i32
    %scan3A_36 = arith.constant 1 : i32
    %scan3A_37 = scf.for %scan3A_94 = %scan3A_33 to %scan3A_35 step %scan3A_36 iter_args(%scan3A_95 = %scan3A_31) -> (vector<16xf32>)  : i32 {
      %add3A_96 = arith.constant 32 : i32
      %add3A_97 = arith.addi %scan3A_94, %add3A_96 : i32
      %lt3A = arith.constant 64 : i32
      %lt3A_98 = arith.cmpi slt, %add3A_97, %lt3A : i32
      %add3A_99 = arith.constant 32 : i32
      %add3A_100 = arith.addi %scan3A_94, %add3A_99 : i32
      %sub3A = arith.constant 32 : i32
      %sub3A_101 = arith.subi %scan3A_94, %sub3A : i32
      %select_n3A = arith.select %lt3A_98, %add3A_100, %sub3A_101 : i32
      %mul3A_102 = arith.constant 80 : i32
      %mul3A_103 = arith.muli %scan3A_94, %mul3A_102 : i32
      %mul3A_104 = arith.constant 80 : i32
      %mul3A_105 = arith.muli %select_n3A, %mul3A_104 : i32
      %add3A_106 = arith.constant 0 : i32
      %add3A_107 = arith.addi %mul3A_103, %add3A_106 : i32
      %get3A = arith.index_cast %add3A_107 : i32 to index
      %get3A_108 = tpu.vector_load %arg5[%get3A] {strides = array<i32>} : memref<5120xf32, #tpu.memory_space<vmem>>, vector<16xf32>,
      %get3A_109 = vector.shape_cast %get3A_108 : vector<16xf32> to vector<16xf32>
      %add3A_110 = arith.constant 0 : i32
      %add3A_111 = arith.addi %mul3A_105, %add3A_110 : i32
      %get3A_112 = arith.index_cast %add3A_111 : i32 to index
      %get3A_113 = tpu.vector_load %arg5[%get3A_112] {strides = array<i32>} : memref<5120xf32, #tpu.memory_space<vmem>>, vector<16xf32>,
      %get3A_114 = vector.shape_cast %get3A_113 : vector<16xf32> to vector<16xf32>
      %sub3A_115 = arith.subf %get3A_109, %get3A_114 : vector<16xf32>
      %add3A_116 = arith.constant 0 : i32
      %add3A_117 = arith.addi %mul3A_103, %add3A_116 : i32
      %get3A_118 = arith.index_cast %add3A_117 : i32 to index
      %get3A_119 = tpu.vector_load %arg6[%get3A_118] {strides = array<i32>} : memref<5120xf32, #tpu.memory_space<vmem>>, vector<16xf32>,
      %get3A_120 = vector.shape_cast %get3A_119 : vector<16xf32> to vector<16xf32>
      %add3A_121 = arith.constant 0 : i32
      %add3A_122 = arith.addi %mul3A_105, %add3A_121 : i32
      %get3A_123 = arith.index_cast %add3A_122 : i32 to index
      %get3A_124 = tpu.vector_load %arg6[%get3A_123] {strides = array<i32>} : memref<5120xf32, #tpu.memory_space<vmem>>, vector<16xf32>,
      %get3A_125 = vector.shape_cast %get3A_124 : vector<16xf32> to vector<16xf32>
      %sub3A_126 = arith.subf %get3A_120, %get3A_125 : vector<16xf32>
      %mul3A_127 = arith.mulf %sub3A_115, %sub3A_115 : vector<16xf32>
      %mul3A_128 = arith.mulf %sub3A_126, %sub3A_126 : vector<16xf32>
      %add3A_129 = arith.addf %mul3A_127, %mul3A_128 : vector<16xf32>
      %add3A_130 = arith.constant 9.99999971E-10 : f32
      %add3A_131 = vector.broadcast %add3A_130 : f32 to vector<16xf32>
      %add3A_132 = arith.addf %add3A_129, %add3A_131 : vector<16xf32>
      %bitcast_convert_type3A = tpu.bitcast %add3A_132 : vector<16xf32> -> vector<16xi32>
      %shift_right_arithmetic3A = arith.constant 1 : i32
      %shift_right_arithmetic3A_133 = vector.broadcast %shift_right_arithmetic3A : i32 to vector<16xi32>
      %shift_right_arithmetic3A_134 = arith.shrsi %bitcast_convert_type3A, %shift_right_arithmetic3A_133 : vector<16xi32>
      %sub3A_135 = arith.constant 1597463007 : i32
      %sub3A_136 = vector.broadcast %sub3A_135 : i32 to vector<16xi32>
      %sub3A_137 = arith.subi %sub3A_136, %shift_right_arithmetic3A_134 : vector<16xi32>
      %bitcast_convert_type3A_138 = tpu.bitcast %sub3A_137 : vector<16xi32> -> vector<16xf32>
      %mul3A_139 = arith.constant 5.000000e-01 : f32
      %mul3A_140 = vector.broadcast %mul3A_139 : f32 to vector<16xf32>
      %mul3A_141 = arith.mulf %mul3A_140, %add3A_132 : vector<16xf32>
      %mul3A_142 = arith.mulf %mul3A_141, %bitcast_convert_type3A_138 : vector<16xf32>
      %mul3A_143 = arith.mulf %mul3A_142, %bitcast_convert_type3A_138 : vector<16xf32>
      %sub3A_144 = arith.constant 1.500000e+00 : f32
      %sub3A_145 = vector.broadcast %sub3A_144 : f32 to vector<16xf32>
      %sub3A_146 = arith.subf %sub3A_145, %mul3A_143 : vector<16xf32>
      %mul3A_147 = arith.mulf %bitcast_convert_type3A_138, %sub3A_146 : vector<16xf32>
      %mul3A_148 = arith.mulf %mul3A_141, %mul3A_147 : vector<16xf32>
      %mul3A_149 = arith.mulf %mul3A_148, %mul3A_147 : vector<16xf32>
      %sub3A_150 = arith.constant 1.500000e+00 : f32
      %sub3A_151 = vector.broadcast %sub3A_150 : f32 to vector<16xf32>
      %sub3A_152 = arith.subf %sub3A_151, %mul3A_149 : vector<16xf32>
      %mul3A_153 = arith.mulf %mul3A_147, %sub3A_152 : vector<16xf32>
      %mul3A_154 = arith.mulf %add3A_132, %mul3A_153 : vector<16xf32>
      %mul3A_155 = arith.constant 5.000000e-01 : f32
      %mul3A_156 = vector.broadcast %mul3A_155 : f32 to vector<16xf32>
      %mul3A_157 = arith.mulf %mul3A_156, %mul3A_154 : vector<16xf32>
      %add3A_158 = arith.addf %scan3A_95, %mul3A_157 : vector<16xf32>
      %add3A_159 = arith.constant 16 : i32
      %add3A_160 = arith.addi %mul3A_103, %add3A_159 : i32
      %get3A_161 = arith.index_cast %add3A_160 : i32 to index
      %get3A_162 = tpu.vector_load %arg5[%get3A_161] {strides = array<i32>} : memref<5120xf32, #tpu.memory_space<vmem>>, vector<16xf32>,
      %get3A_163 = vector.shape_cast %get3A_162 : vector<16xf32> to vector<16xf32>
      %add3A_164 = arith.constant 16 : i32
      %add3A_165 = arith.addi %mul3A_105, %add3A_164 : i32
      %get3A_166 = arith.index_cast %add3A_165 : i32 to index
      %get3A_167 = tpu.vector_load %arg5[%get3A_166] {strides = array<i32>} : memref<5120xf32, #tpu.memory_space<vmem>>, vector<16xf32>,
      %get3A_168 = vector.shape_cast %get3A_167 : vector<16xf32> to vector<16xf32>
      %sub3A_169 = arith.subf %get3A_163, %get3A_168 : vector<16xf32>
      %add3A_170 = arith.constant 16 : i32
      %add3A_171 = arith.addi %mul3A_103, %add3A_170 : i32
      %get3A_172 = arith.index_cast %add3A_171 : i32 to index
      %get3A_173 = tpu.vector_load %arg6[%get3A_172] {strides = array<i32>} : memref<5120xf32, #tpu.memory_space<vmem>>, vector<16xf32>,
      %get3A_174 = vector.shape_cast %get3A_173 : vector<16xf32> to vector<16xf32>
      %add3A_175 = arith.constant 16 : i32
      %add3A_176 = arith.addi %mul3A_105, %add3A_175 : i32
      %get3A_177 = arith.index_cast %add3A_176 : i32 to index
      %get3A_178 = tpu.vector_load %arg6[%get3A_177] {strides = array<i32>} : memref<5120xf32, #tpu.memory_space<vmem>>, vector<16xf32>,
      %get3A_179 = vector.shape_cast %get3A_178 : vector<16xf32> to vector<16xf32>
      %sub3A_180 = arith.subf %get3A_174, %get3A_179 : vector<16xf32>
      %mul3A_181 = arith.mulf %sub3A_169, %sub3A_169 : vector<16xf32>
      %mul3A_182 = arith.mulf %sub3A_180, %sub3A_180 : vector<16xf32>
      %add3A_183 = arith.addf %mul3A_181, %mul3A_182 : vector<16xf32>
      %add3A_184 = arith.constant 9.99999971E-10 : f32
      %add3A_185 = vector.broadcast %add3A_184 : f32 to vector<16xf32>
      %add3A_186 = arith.addf %add3A_183, %add3A_185 : vector<16xf32>
      %bitcast_convert_type3A_187 = tpu.bitcast %add3A_186 : vector<16xf32> -> vector<16xi32>
      %shift_right_arithmetic3A_188 = arith.constant 1 : i32
      %shift_right_arithmetic3A_189 = vector.broadcast %shift_right_arithmetic3A_188 : i32 to vector<16xi32>
      %shift_right_arithmetic3A_190 = arith.shrsi %bitcast_convert_type3A_187, %shift_right_arithmetic3A_189 : vector<16xi32>
      %sub3A_191 = arith.constant 1597463007 : i32
      %sub3A_192 = vector.broadcast %sub3A_191 : i32 to vector<16xi32>
      %sub3A_193 = arith.subi %sub3A_192, %shift_right_arithmetic3A_190 : vector<16xi32>
      %bitcast_convert_type3A_194 = tpu.bitcast %sub3A_193 : vector<16xi32> -> vector<16xf32>
      %mul3A_195 = arith.constant 5.000000e-01 : f32
      %mul3A_196 = vector.broadcast %mul3A_195 : f32 to vector<16xf32>
      %mul3A_197 = arith.mulf %mul3A_196, %add3A_186 : vector<16xf32>
      %mul3A_198 = arith.mulf %mul3A_197, %bitcast_convert_type3A_194 : vector<16xf32>
      %mul3A_199 = arith.mulf %mul3A_198, %bitcast_convert_type3A_194 : vector<16xf32>
      %sub3A_200 = arith.constant 1.500000e+00 : f32
      %sub3A_201 = vector.broadcast %sub3A_200 : f32 to vector<16xf32>
      %sub3A_202 = arith.subf %sub3A_201, %mul3A_199 : vector<16xf32>
      %mul3A_203 = arith.mulf %bitcast_convert_type3A_194, %sub3A_202 : vector<16xf32>
      %mul3A_204 = arith.mulf %mul3A_197, %mul3A_203 : vector<16xf32>
      %mul3A_205 = arith.mulf %mul3A_204, %mul3A_203 : vector<16xf32>
      %sub3A_206 = arith.constant 1.500000e+00 : f32
      %sub3A_207 = vector.broadcast %sub3A_206 : f32 to vector<16xf32>
      %sub3A_208 = arith.subf %sub3A_207, %mul3A_205 : vector<16xf32>
      %mul3A_209 = arith.mulf %mul3A_203, %sub3A_208 : vector<16xf32>
      %mul3A_210 = arith.mulf %add3A_186, %mul3A_209 : vector<16xf32>
      %mul3A_211 = arith.constant 5.000000e-01 : f32
      %mul3A_212 = vector.broadcast %mul3A_211 : f32 to vector<16xf32>
      %mul3A_213 = arith.mulf %mul3A_212, %mul3A_210 : vector<16xf32>
      %add3A_214 = arith.addf %add3A_158, %mul3A_213 : vector<16xf32>
      %add3A_215 = arith.constant 32 : i32
      %add3A_216 = arith.addi %mul3A_103, %add3A_215 : i32
      %get3A_217 = arith.index_cast %add3A_216 : i32 to index
      %get3A_218 = tpu.vector_load %arg5[%get3A_217] {strides = array<i32>} : memref<5120xf32, #tpu.memory_space<vmem>>, vector<16xf32>,
      %get3A_219 = vector.shape_cast %get3A_218 : vector<16xf32> to vector<16xf32>
      %add3A_220 = arith.constant 32 : i32
      %add3A_221 = arith.addi %mul3A_105, %add3A_220 : i32
      %get3A_222 = arith.index_cast %add3A_221 : i32 to index
      %get3A_223 = tpu.vector_load %arg5[%get3A_222] {strides = array<i32>} : memref<5120xf32, #tpu.memory_space<vmem>>, vector<16xf32>,
      %get3A_224 = vector.shape_cast %get3A_223 : vector<16xf32> to vector<16xf32>
      %sub3A_225 = arith.subf %get3A_219, %get3A_224 : vector<16xf32>
      %add3A_226 = arith.constant 32 : i32
      %add3A_227 = arith.addi %mul3A_103, %add3A_226 : i32
      %get3A_228 = arith.index_cast %add3A_227 : i32 to index
      %get3A_229 = tpu.vector_load %arg6[%get3A_228] {strides = array<i32>} : memref<5120xf32, #tpu.memory_space<vmem>>, vector<16xf32>,
      %get3A_230 = vector.shape_cast %get3A_229 : vector<16xf32> to vector<16xf32>
      %add3A_231 = arith.constant 32 : i32
      %add3A_232 = arith.addi %mul3A_105, %add3A_231 : i32
      %get3A_233 = arith.index_cast %add3A_232 : i32 to index
      %get3A_234 = tpu.vector_load %arg6[%get3A_233] {strides = array<i32>} : memref<5120xf32, #tpu.memory_space<vmem>>, vector<16xf32>,
      %get3A_235 = vector.shape_cast %get3A_234 : vector<16xf32> to vector<16xf32>
      %sub3A_236 = arith.subf %get3A_230, %get3A_235 : vector<16xf32>
      %mul3A_237 = arith.mulf %sub3A_225, %sub3A_225 : vector<16xf32>
      %mul3A_238 = arith.mulf %sub3A_236, %sub3A_236 : vector<16xf32>
      %add3A_239 = arith.addf %mul3A_237, %mul3A_238 : vector<16xf32>
      %add3A_240 = arith.constant 9.99999971E-10 : f32
      %add3A_241 = vector.broadcast %add3A_240 : f32 to vector<16xf32>
      %add3A_242 = arith.addf %add3A_239, %add3A_241 : vector<16xf32>
      %bitcast_convert_type3A_243 = tpu.bitcast %add3A_242 : vector<16xf32> -> vector<16xi32>
      %shift_right_arithmetic3A_244 = arith.constant 1 : i32
      %shift_right_arithmetic3A_245 = vector.broadcast %shift_right_arithmetic3A_244 : i32 to vector<16xi32>
      %shift_right_arithmetic3A_246 = arith.shrsi %bitcast_convert_type3A_243, %shift_right_arithmetic3A_245 : vector<16xi32>
      %sub3A_247 = arith.constant 1597463007 : i32
      %sub3A_248 = vector.broadcast %sub3A_247 : i32 to vector<16xi32>
      %sub3A_249 = arith.subi %sub3A_248, %shift_right_arithmetic3A_246 : vector<16xi32>
      %bitcast_convert_type3A_250 = tpu.bitcast %sub3A_249 : vector<16xi32> -> vector<16xf32>
      %mul3A_251 = arith.constant 5.000000e-01 : f32
      %mul3A_252 = vector.broadcast %mul3A_251 : f32 to vector<16xf32>
      %mul3A_253 = arith.mulf %mul3A_252, %add3A_242 : vector<16xf32>
      %mul3A_254 = arith.mulf %mul3A_253, %bitcast_convert_type3A_250 : vector<16xf32>
      %mul3A_255 = arith.mulf %mul3A_254, %bitcast_convert_type3A_250 : vector<16xf32>
      %sub3A_256 = arith.constant 1.500000e+00 : f32
      %sub3A_257 = vector.broadcast %sub3A_256 : f32 to vector<16xf32>
      %sub3A_258 = arith.subf %sub3A_257, %mul3A_255 : vector<16xf32>
      %mul3A_259 = arith.mulf %bitcast_convert_type3A_250, %sub3A_258 : vector<16xf32>
      %mul3A_260 = arith.mulf %mul3A_253, %mul3A_259 : vector<16xf32>
      %mul3A_261 = arith.mulf %mul3A_260, %mul3A_259 : vector<16xf32>
      %sub3A_262 = arith.constant 1.500000e+00 : f32
      %sub3A_263 = vector.broadcast %sub3A_262 : f32 to vector<16xf32>
      %sub3A_264 = arith.subf %sub3A_263, %mul3A_261 : vector<16xf32>
      %mul3A_265 = arith.mulf %mul3A_259, %sub3A_264 : vector<16xf32>
      %mul3A_266 = arith.mulf %add3A_242, %mul3A_265 : vector<16xf32>
      %mul3A_267 = arith.constant 5.000000e-01 : f32
      %mul3A_268 = vector.broadcast %mul3A_267 : f32 to vector<16xf32>
      %mul3A_269 = arith.mulf %mul3A_268, %mul3A_266 : vector<16xf32>
      %add3A_270 = arith.addf %add3A_214, %mul3A_269 : vector<16xf32>
      %add3A_271 = arith.constant 48 : i32
      %add3A_272 = arith.addi %mul3A_103, %add3A_271 : i32
      %get3A_273 = arith.index_cast %add3A_272 : i32 to index
      %get3A_274 = tpu.vector_load %arg5[%get3A_273] {strides = array<i32>} : memref<5120xf32, #tpu.memory_space<vmem>>, vector<16xf32>,
      %get3A_275 = vector.shape_cast %get3A_274 : vector<16xf32> to vector<16xf32>
      %add3A_276 = arith.constant 48 : i32
      %add3A_277 = arith.addi %mul3A_105, %add3A_276 : i32
      %get3A_278 = arith.index_cast %add3A_277 : i32 to index
      %get3A_279 = tpu.vector_load %arg5[%get3A_278] {strides = array<i32>} : memref<5120xf32, #tpu.memory_space<vmem>>, vector<16xf32>,
      %get3A_280 = vector.shape_cast %get3A_279 : vector<16xf32> to vector<16xf32>
      %sub3A_281 = arith.subf %get3A_275, %get3A_280 : vector<16xf32>
      %add3A_282 = arith.constant 48 : i32
      %add3A_283 = arith.addi %mul3A_103, %add3A_282 : i32
      %get3A_284 = arith.index_cast %add3A_283 : i32 to index
      %get3A_285 = tpu.vector_load %arg6[%get3A_284] {strides = array<i32>} : memref<5120xf32, #tpu.memory_space<vmem>>, vector<16xf32>,
      %get3A_286 = vector.shape_cast %get3A_285 : vector<16xf32> to vector<16xf32>
      %add3A_287 = arith.constant 48 : i32
      %add3A_288 = arith.addi %mul3A_105, %add3A_287 : i32
      %get3A_289 = arith.index_cast %add3A_288 : i32 to index
      %get3A_290 = tpu.vector_load %arg6[%get3A_289] {strides = array<i32>} : memref<5120xf32, #tpu.memory_space<vmem>>, vector<16xf32>,
      %get3A_291 = vector.shape_cast %get3A_290 : vector<16xf32> to vector<16xf32>
      %sub3A_292 = arith.subf %get3A_286, %get3A_291 : vector<16xf32>
      %mul3A_293 = arith.mulf %sub3A_281, %sub3A_281 : vector<16xf32>
      %mul3A_294 = arith.mulf %sub3A_292, %sub3A_292 : vector<16xf32>
      %add3A_295 = arith.addf %mul3A_293, %mul3A_294 : vector<16xf32>
      %add3A_296 = arith.constant 9.99999971E-10 : f32
      %add3A_297 = vector.broadcast %add3A_296 : f32 to vector<16xf32>
      %add3A_298 = arith.addf %add3A_295, %add3A_297 : vector<16xf32>
      %bitcast_convert_type3A_299 = tpu.bitcast %add3A_298 : vector<16xf32> -> vector<16xi32>
      %shift_right_arithmetic3A_300 = arith.constant 1 : i32
      %shift_right_arithmetic3A_301 = vector.broadcast %shift_right_arithmetic3A_300 : i32 to vector<16xi32>
      %shift_right_arithmetic3A_302 = arith.shrsi %bitcast_convert_type3A_299, %shift_right_arithmetic3A_301 : vector<16xi32>
      %sub3A_303 = arith.constant 1597463007 : i32
      %sub3A_304 = vector.broadcast %sub3A_303 : i32 to vector<16xi32>
      %sub3A_305 = arith.subi %sub3A_304, %shift_right_arithmetic3A_302 : vector<16xi32>
      %bitcast_convert_type3A_306 = tpu.bitcast %sub3A_305 : vector<16xi32> -> vector<16xf32>
      %mul3A_307 = arith.constant 5.000000e-01 : f32
      %mul3A_308 = vector.broadcast %mul3A_307 : f32 to vector<16xf32>
      %mul3A_309 = arith.mulf %mul3A_308, %add3A_298 : vector<16xf32>
      %mul3A_310 = arith.mulf %mul3A_309, %bitcast_convert_type3A_306 : vector<16xf32>
      %mul3A_311 = arith.mulf %mul3A_310, %bitcast_convert_type3A_306 : vector<16xf32>
      %sub3A_312 = arith.constant 1.500000e+00 : f32
      %sub3A_313 = vector.broadcast %sub3A_312 : f32 to vector<16xf32>
      %sub3A_314 = arith.subf %sub3A_313, %mul3A_311 : vector<16xf32>
      %mul3A_315 = arith.mulf %bitcast_convert_type3A_306, %sub3A_314 : vector<16xf32>
      %mul3A_316 = arith.mulf %mul3A_309, %mul3A_315 : vector<16xf32>
      %mul3A_317 = arith.mulf %mul3A_316, %mul3A_315 : vector<16xf32>
      %sub3A_318 = arith.constant 1.500000e+00 : f32
      %sub3A_319 = vector.broadcast %sub3A_318 : f32 to vector<16xf32>
      %sub3A_320 = arith.subf %sub3A_319, %mul3A_317 : vector<16xf32>
      %mul3A_321 = arith.mulf %mul3A_315, %sub3A_320 : vector<16xf32>
      %mul3A_322 = arith.mulf %add3A_298, %mul3A_321 : vector<16xf32>
      %mul3A_323 = arith.constant 5.000000e-01 : f32
      %mul3A_324 = vector.broadcast %mul3A_323 : f32 to vector<16xf32>
      %mul3A_325 = arith.mulf %mul3A_324, %mul3A_322 : vector<16xf32>
      %add3A_326 = arith.addf %add3A_270, %mul3A_325 : vector<16xf32>
      %add3A_327 = arith.constant 64 : i32
      %add3A_328 = arith.addi %mul3A_103, %add3A_327 : i32
      %get3A_329 = arith.index_cast %add3A_328 : i32 to index
      %get3A_330 = tpu.vector_load %arg5[%get3A_329] {strides = array<i32>} : memref<5120xf32, #tpu.memory_space<vmem>>, vector<16xf32>,
      %get3A_331 = vector.shape_cast %get3A_330 : vector<16xf32> to vector<16xf32>
      %add3A_332 = arith.constant 64 : i32
      %add3A_333 = arith.addi %mul3A_105, %add3A_332 : i32
      %get3A_334 = arith.index_cast %add3A_333 : i32 to index
      %get3A_335 = tpu.vector_load %arg5[%get3A_334] {strides = array<i32>} : memref<5120xf32, #tpu.memory_space<vmem>>, vector<16xf32>,
      %get3A_336 = vector.shape_cast %get3A_335 : vector<16xf32> to vector<16xf32>
      %sub3A_337 = arith.subf %get3A_331, %get3A_336 : vector<16xf32>
      %add3A_338 = arith.constant 64 : i32
      %add3A_339 = arith.addi %mul3A_103, %add3A_338 : i32
      %get3A_340 = arith.index_cast %add3A_339 : i32 to index
      %get3A_341 = tpu.vector_load %arg6[%get3A_340] {strides = array<i32>} : memref<5120xf32, #tpu.memory_space<vmem>>, vector<16xf32>,
      %get3A_342 = vector.shape_cast %get3A_341 : vector<16xf32> to vector<16xf32>
      %add3A_343 = arith.constant 64 : i32
      %add3A_344 = arith.addi %mul3A_105, %add3A_343 : i32
      %get3A_345 = arith.index_cast %add3A_344 : i32 to index
      %get3A_346 = tpu.vector_load %arg6[%get3A_345] {strides = array<i32>} : memref<5120xf32, #tpu.memory_space<vmem>>, vector<16xf32>,
      %get3A_347 = vector.shape_cast %get3A_346 : vector<16xf32> to vector<16xf32>
      %sub3A_348 = arith.subf %get3A_342, %get3A_347 : vector<16xf32>
      %mul3A_349 = arith.mulf %sub3A_337, %sub3A_337 : vector<16xf32>
      %mul3A_350 = arith.mulf %sub3A_348, %sub3A_348 : vector<16xf32>
      %add3A_351 = arith.addf %mul3A_349, %mul3A_350 : vector<16xf32>
      %add3A_352 = arith.constant 9.99999971E-10 : f32
      %add3A_353 = vector.broadcast %add3A_352 : f32 to vector<16xf32>
      %add3A_354 = arith.addf %add3A_351, %add3A_353 : vector<16xf32>
      %bitcast_convert_type3A_355 = tpu.bitcast %add3A_354 : vector<16xf32> -> vector<16xi32>
      %shift_right_arithmetic3A_356 = arith.constant 1 : i32
      %shift_right_arithmetic3A_357 = vector.broadcast %shift_right_arithmetic3A_356 : i32 to vector<16xi32>
      %shift_right_arithmetic3A_358 = arith.shrsi %bitcast_convert_type3A_355, %shift_right_arithmetic3A_357 : vector<16xi32>
      %sub3A_359 = arith.constant 1597463007 : i32
      %sub3A_360 = vector.broadcast %sub3A_359 : i32 to vector<16xi32>
      %sub3A_361 = arith.subi %sub3A_360, %shift_right_arithmetic3A_358 : vector<16xi32>
      %bitcast_convert_type3A_362 = tpu.bitcast %sub3A_361 : vector<16xi32> -> vector<16xf32>
      %mul3A_363 = arith.constant 5.000000e-01 : f32
      %mul3A_364 = vector.broadcast %mul3A_363 : f32 to vector<16xf32>
      %mul3A_365 = arith.mulf %mul3A_364, %add3A_354 : vector<16xf32>
      %mul3A_366 = arith.mulf %mul3A_365, %bitcast_convert_type3A_362 : vector<16xf32>
      %mul3A_367 = arith.mulf %mul3A_366, %bitcast_convert_type3A_362 : vector<16xf32>
      %sub3A_368 = arith.constant 1.500000e+00 : f32
      %sub3A_369 = vector.broadcast %sub3A_368 : f32 to vector<16xf32>
      %sub3A_370 = arith.subf %sub3A_369, %mul3A_367 : vector<16xf32>
      %mul3A_371 = arith.mulf %bitcast_convert_type3A_362, %sub3A_370 : vector<16xf32>
      %mul3A_372 = arith.mulf %mul3A_365, %mul3A_371 : vector<16xf32>
      %mul3A_373 = arith.mulf %mul3A_372, %mul3A_371 : vector<16xf32>
      %sub3A_374 = arith.constant 1.500000e+00 : f32
      %sub3A_375 = vector.broadcast %sub3A_374 : f32 to vector<16xf32>
      %sub3A_376 = arith.subf %sub3A_375, %mul3A_373 : vector<16xf32>
      %mul3A_377 = arith.mulf %mul3A_371, %sub3A_376 : vector<16xf32>
      %mul3A_378 = arith.mulf %add3A_354, %mul3A_377 : vector<16xf32>
      %mul3A_379 = arith.constant 5.000000e-01 : f32
      %mul3A_380 = vector.broadcast %mul3A_379 : f32 to vector<16xf32>
      %mul3A_381 = arith.mulf %mul3A_380, %mul3A_378 : vector<16xf32>
      %add3A_382 = arith.addf %add3A_326, %mul3A_381 : vector<16xf32>
      scf.yield %add3A_382 : vector<16xf32>
    }
    %scan3A_38 = arith.constant 64 : i32
    %mul3A_39 = arith.constant 2 : i32
    %mul3A_40 = arith.muli %add3A, %mul3A_39 : i32
    %add3A_41 = arith.constant 1 : i32
    %add3A_42 = arith.addi %mul3A_40, %add3A_41 : i32
    %dma_start3A_43 = arith.constant 0 : i32
    %dma_start3A_44 = tpu.memref_slice %arg2[%add3A_42, %dma_start3A_43] : memref<64x5120xf32, #tpu.memory_space<hbm>> -> memref<1x5120xf32, #tpu.memory_space<hbm>>
    %dma_start3A_45 = tpu.memref_squeeze %dma_start3A_44 : memref<1x5120xf32, #tpu.memory_space<hbm>> -> memref<5120xf32, #tpu.memory_space<hbm>>
    %dma_start3A_46 = arith.constant 0 : i32
    %dma_start3A_47 = tpu.memref_slice %arg2[%add3A_42, %dma_start3A_46] : memref<64x5120xf32, #tpu.memory_space<hbm>> -> memref<1x5120xf32, #tpu.memory_space<hbm>>
    %dma_start3A_48 = tpu.memref_squeeze %dma_start3A_47 : memref<1x5120xf32, #tpu.memory_space<hbm>> -> memref<5120xf32, #tpu.memory_space<hbm>>
    tpu.enqueue_dma source(%dma_start3A_48 : memref<5120xf32, #tpu.memory_space<hbm>>) target(%arg5 : memref<5120xf32, #tpu.memory_space<vmem>>) target_semaphore(%arg8 : memref<!tpu.dma_semaphore, #tpu.memory_space<semaphore_mem>>)
    %dma_wait3A_49 = arith.constant 0 : i32
    %dma_wait3A_50 = tpu.memref_slice %arg2[%add3A_42, %dma_wait3A_49] : memref<64x5120xf32, #tpu.memory_space<hbm>> -> memref<1x5120xf32, #tpu.memory_space<hbm>>
    %dma_wait3A_51 = tpu.memref_squeeze %dma_wait3A_50 : memref<1x5120xf32, #tpu.memory_space<hbm>> -> memref<5120xf32, #tpu.memory_space<hbm>>
    %dma_wait3A_52 = arith.constant 0 : i32
    %dma_wait3A_53 = tpu.memref_slice %arg2[%add3A_42, %dma_wait3A_52] : memref<64x5120xf32, #tpu.memory_space<hbm>> -> memref<1x5120xf32, #tpu.memory_space<hbm>>
    %dma_wait3A_54 = tpu.memref_squeeze %dma_wait3A_53 : memref<1x5120xf32, #tpu.memory_space<hbm>> -> memref<5120xf32, #tpu.memory_space<hbm>>
    tpu.wait_dma2 semaphore(%arg8 : memref<!tpu.dma_semaphore, #tpu.memory_space<semaphore_mem>>) src(%dma_wait3A_54 : memref<5120xf32, #tpu.memory_space<hbm>>) dst(%arg5 : memref<5120xf32, #tpu.memory_space<vmem>>)
    %dma_start3A_55 = arith.constant 0 : i32
    %dma_start3A_56 = tpu.memref_slice %arg3[%add3A_42, %dma_start3A_55] : memref<64x5120xf32, #tpu.memory_space<hbm>> -> memref<1x5120xf32, #tpu.memory_space<hbm>>
    %dma_start3A_57 = tpu.memref_squeeze %dma_start3A_56 : memref<1x5120xf32, #tpu.memory_space<hbm>> -> memref<5120xf32, #tpu.memory_space<hbm>>
    %dma_start3A_58 = arith.constant 0 : i32
    %dma_start3A_59 = tpu.memref_slice %arg3[%add3A_42, %dma_start3A_58] : memref<64x5120xf32, #tpu.memory_space<hbm>> -> memref<1x5120xf32, #tpu.memory_space<hbm>>
    %dma_start3A_60 = tpu.memref_squeeze %dma_start3A_59 : memref<1x5120xf32, #tpu.memory_space<hbm>> -> memref<5120xf32, #tpu.memory_space<hbm>>
    tpu.enqueue_dma source(%dma_start3A_60 : memref<5120xf32, #tpu.memory_space<hbm>>) target(%arg6 : memref<5120xf32, #tpu.memory_space<vmem>>) target_semaphore(%arg8 : memref<!tpu.dma_semaphore, #tpu.memory_space<semaphore_mem>>)
    %dma_wait3A_61 = arith.constant 0 : i32
    %dma_wait3A_62 = tpu.memref_slice %arg3[%add3A_42, %dma_wait3A_61] : memref<64x5120xf32, #tpu.memory_space<hbm>> -> memref<1x5120xf32, #tpu.memory_space<hbm>>
    %dma_wait3A_63 = tpu.memref_squeeze %dma_wait3A_62 : memref<1x5120xf32, #tpu.memory_space<hbm>> -> memref<5120xf32, #tpu.memory_space<hbm>>
    %dma_wait3A_64 = arith.constant 0 : i32
    %dma_wait3A_65 = tpu.memref_slice %arg3[%add3A_42, %dma_wait3A_64] : memref<64x5120xf32, #tpu.memory_space<hbm>> -> memref<1x5120xf32, #tpu.memory_space<hbm>>
    %dma_wait3A_66 = tpu.memref_squeeze %dma_wait3A_65 : memref<1x5120xf32, #tpu.memory_space<hbm>> -> memref<5120xf32, #tpu.memory_space<hbm>>
    tpu.wait_dma2 semaphore(%arg8 : memref<!tpu.dma_semaphore, #tpu.memory_space<semaphore_mem>>) src(%dma_wait3A_66 : memref<5120xf32, #tpu.memory_space<hbm>>) dst(%arg6 : memref<5120xf32, #tpu.memory_space<vmem>>)
    %scan3A_67 = arith.constant 1 : i32
    %scan3A_68 = arith.constant 31 : i32
    %scan3A_69 = arith.addi %scan3A_67, %scan3A_68 : i32
    %scan3A_70 = arith.constant 1 : i32
    %scan3A_71 = scf.for %scan3A_94 = %scan3A_67 to %scan3A_69 step %scan3A_70 iter_args(%scan3A_95 = %scan3A_37) -> (vector<16xf32>)  : i32 {
      %scan3A_96 = arith.constant 0 : i32
      %scan3A_97 = arith.constant 64 : i32
      %scan3A_98 = arith.addi %scan3A_96, %scan3A_97 : i32
      %scan3A_99 = arith.constant 1 : i32
      %scan3A_100 = scf.for %scan3A_102 = %scan3A_96 to %scan3A_98 step %scan3A_99 iter_args(%scan3A_103 = %scan3A_95) -> (vector<16xf32>)  : i32 {
        %add3A_104 = arith.addi %scan3A_102, %scan3A_94 : i32
        %lt3A = arith.constant 64 : i32
        %lt3A_105 = arith.cmpi slt, %add3A_104, %lt3A : i32
        %add3A_106 = arith.addi %scan3A_102, %scan3A_94 : i32
        %add3A_107 = arith.addi %scan3A_102, %scan3A_94 : i32
        %sub3A = arith.constant 64 : i32
        %sub3A_108 = arith.subi %add3A_107, %sub3A : i32
        %select_n3A = arith.select %lt3A_105, %add3A_106, %sub3A_108 : i32
        %mul3A_109 = arith.constant 80 : i32
        %mul3A_110 = arith.muli %scan3A_102, %mul3A_109 : i32
        %mul3A_111 = arith.constant 80 : i32
        %mul3A_112 = arith.muli %select_n3A, %mul3A_111 : i32
        %add3A_113 = arith.constant 0 : i32
        %add3A_114 = arith.addi %mul3A_110, %add3A_113 : i32
        %get3A = arith.index_cast %add3A_114 : i32 to index
        %get3A_115 = tpu.vector_load %arg5[%get3A] {strides = array<i32>} : memref<5120xf32, #tpu.memory_space<vmem>>, vector<16xf32>,
        %get3A_116 = vector.shape_cast %get3A_115 : vector<16xf32> to vector<16xf32>
        %add3A_117 = arith.constant 0 : i32
        %add3A_118 = arith.addi %mul3A_112, %add3A_117 : i32
        %get3A_119 = arith.index_cast %add3A_118 : i32 to index
        %get3A_120 = tpu.vector_load %arg5[%get3A_119] {strides = array<i32>} : memref<5120xf32, #tpu.memory_space<vmem>>, vector<16xf32>,
        %get3A_121 = vector.shape_cast %get3A_120 : vector<16xf32> to vector<16xf32>
        %sub3A_122 = arith.subf %get3A_116, %get3A_121 : vector<16xf32>
        %add3A_123 = arith.constant 0 : i32
        %add3A_124 = arith.addi %mul3A_110, %add3A_123 : i32
        %get3A_125 = arith.index_cast %add3A_124 : i32 to index
        %get3A_126 = tpu.vector_load %arg6[%get3A_125] {strides = array<i32>} : memref<5120xf32, #tpu.memory_space<vmem>>, vector<16xf32>,
        %get3A_127 = vector.shape_cast %get3A_126 : vector<16xf32> to vector<16xf32>
        %add3A_128 = arith.constant 0 : i32
        %add3A_129 = arith.addi %mul3A_112, %add3A_128 : i32
        %get3A_130 = arith.index_cast %add3A_129 : i32 to index
        %get3A_131 = tpu.vector_load %arg6[%get3A_130] {strides = array<i32>} : memref<5120xf32, #tpu.memory_space<vmem>>, vector<16xf32>,
        %get3A_132 = vector.shape_cast %get3A_131 : vector<16xf32> to vector<16xf32>
        %sub3A_133 = arith.subf %get3A_127, %get3A_132 : vector<16xf32>
        %mul3A_134 = arith.mulf %sub3A_122, %sub3A_122 : vector<16xf32>
        %mul3A_135 = arith.mulf %sub3A_133, %sub3A_133 : vector<16xf32>
        %add3A_136 = arith.addf %mul3A_134, %mul3A_135 : vector<16xf32>
        %add3A_137 = arith.constant 9.99999971E-10 : f32
        %add3A_138 = vector.broadcast %add3A_137 : f32 to vector<16xf32>
        %add3A_139 = arith.addf %add3A_136, %add3A_138 : vector<16xf32>
        %bitcast_convert_type3A = tpu.bitcast %add3A_139 : vector<16xf32> -> vector<16xi32>
        %shift_right_arithmetic3A = arith.constant 1 : i32
        %shift_right_arithmetic3A_140 = vector.broadcast %shift_right_arithmetic3A : i32 to vector<16xi32>
        %shift_right_arithmetic3A_141 = arith.shrsi %bitcast_convert_type3A, %shift_right_arithmetic3A_140 : vector<16xi32>
        %sub3A_142 = arith.constant 1597463007 : i32
        %sub3A_143 = vector.broadcast %sub3A_142 : i32 to vector<16xi32>
        %sub3A_144 = arith.subi %sub3A_143, %shift_right_arithmetic3A_141 : vector<16xi32>
        %bitcast_convert_type3A_145 = tpu.bitcast %sub3A_144 : vector<16xi32> -> vector<16xf32>
        %mul3A_146 = arith.constant 5.000000e-01 : f32
        %mul3A_147 = vector.broadcast %mul3A_146 : f32 to vector<16xf32>
        %mul3A_148 = arith.mulf %mul3A_147, %add3A_139 : vector<16xf32>
        %mul3A_149 = arith.mulf %mul3A_148, %bitcast_convert_type3A_145 : vector<16xf32>
        %mul3A_150 = arith.mulf %mul3A_149, %bitcast_convert_type3A_145 : vector<16xf32>
        %sub3A_151 = arith.constant 1.500000e+00 : f32
        %sub3A_152 = vector.broadcast %sub3A_151 : f32 to vector<16xf32>
        %sub3A_153 = arith.subf %sub3A_152, %mul3A_150 : vector<16xf32>
        %mul3A_154 = arith.mulf %bitcast_convert_type3A_145, %sub3A_153 : vector<16xf32>
        %mul3A_155 = arith.mulf %mul3A_148, %mul3A_154 : vector<16xf32>
        %mul3A_156 = arith.mulf %mul3A_155, %mul3A_154 : vector<16xf32>
        %sub3A_157 = arith.constant 1.500000e+00 : f32
        %sub3A_158 = vector.broadcast %sub3A_157 : f32 to vector<16xf32>
        %sub3A_159 = arith.subf %sub3A_158, %mul3A_156 : vector<16xf32>
        %mul3A_160 = arith.mulf %mul3A_154, %sub3A_159 : vector<16xf32>
        %mul3A_161 = arith.mulf %add3A_139, %mul3A_160 : vector<16xf32>
        %add3A_162 = arith.addf %scan3A_103, %mul3A_161 : vector<16xf32>
        %add3A_163 = arith.constant 16 : i32
        %add3A_164 = arith.addi %mul3A_110, %add3A_163 : i32
        %get3A_165 = arith.index_cast %add3A_164 : i32 to index
        %get3A_166 = tpu.vector_load %arg5[%get3A_165] {strides = array<i32>} : memref<5120xf32, #tpu.memory_space<vmem>>, vector<16xf32>,
        %get3A_167 = vector.shape_cast %get3A_166 : vector<16xf32> to vector<16xf32>
        %add3A_168 = arith.constant 16 : i32
        %add3A_169 = arith.addi %mul3A_112, %add3A_168 : i32
        %get3A_170 = arith.index_cast %add3A_169 : i32 to index
        %get3A_171 = tpu.vector_load %arg5[%get3A_170] {strides = array<i32>} : memref<5120xf32, #tpu.memory_space<vmem>>, vector<16xf32>,
        %get3A_172 = vector.shape_cast %get3A_171 : vector<16xf32> to vector<16xf32>
        %sub3A_173 = arith.subf %get3A_167, %get3A_172 : vector<16xf32>
        %add3A_174 = arith.constant 16 : i32
        %add3A_175 = arith.addi %mul3A_110, %add3A_174 : i32
        %get3A_176 = arith.index_cast %add3A_175 : i32 to index
        %get3A_177 = tpu.vector_load %arg6[%get3A_176] {strides = array<i32>} : memref<5120xf32, #tpu.memory_space<vmem>>, vector<16xf32>,
        %get3A_178 = vector.shape_cast %get3A_177 : vector<16xf32> to vector<16xf32>
        %add3A_179 = arith.constant 16 : i32
        %add3A_180 = arith.addi %mul3A_112, %add3A_179 : i32
        %get3A_181 = arith.index_cast %add3A_180 : i32 to index
        %get3A_182 = tpu.vector_load %arg6[%get3A_181] {strides = array<i32>} : memref<5120xf32, #tpu.memory_space<vmem>>, vector<16xf32>,
        %get3A_183 = vector.shape_cast %get3A_182 : vector<16xf32> to vector<16xf32>
        %sub3A_184 = arith.subf %get3A_178, %get3A_183 : vector<16xf32>
        %mul3A_185 = arith.mulf %sub3A_173, %sub3A_173 : vector<16xf32>
        %mul3A_186 = arith.mulf %sub3A_184, %sub3A_184 : vector<16xf32>
        %add3A_187 = arith.addf %mul3A_185, %mul3A_186 : vector<16xf32>
        %add3A_188 = arith.constant 9.99999971E-10 : f32
        %add3A_189 = vector.broadcast %add3A_188 : f32 to vector<16xf32>
        %add3A_190 = arith.addf %add3A_187, %add3A_189 : vector<16xf32>
        %bitcast_convert_type3A_191 = tpu.bitcast %add3A_190 : vector<16xf32> -> vector<16xi32>
        %shift_right_arithmetic3A_192 = arith.constant 1 : i32
        %shift_right_arithmetic3A_193 = vector.broadcast %shift_right_arithmetic3A_192 : i32 to vector<16xi32>
        %shift_right_arithmetic3A_194 = arith.shrsi %bitcast_convert_type3A_191, %shift_right_arithmetic3A_193 : vector<16xi32>
        %sub3A_195 = arith.constant 1597463007 : i32
        %sub3A_196 = vector.broadcast %sub3A_195 : i32 to vector<16xi32>
        %sub3A_197 = arith.subi %sub3A_196, %shift_right_arithmetic3A_194 : vector<16xi32>
        %bitcast_convert_type3A_198 = tpu.bitcast %sub3A_197 : vector<16xi32> -> vector<16xf32>
        %mul3A_199 = arith.constant 5.000000e-01 : f32
        %mul3A_200 = vector.broadcast %mul3A_199 : f32 to vector<16xf32>
        %mul3A_201 = arith.mulf %mul3A_200, %add3A_190 : vector<16xf32>
        %mul3A_202 = arith.mulf %mul3A_201, %bitcast_convert_type3A_198 : vector<16xf32>
        %mul3A_203 = arith.mulf %mul3A_202, %bitcast_convert_type3A_198 : vector<16xf32>
        %sub3A_204 = arith.constant 1.500000e+00 : f32
        %sub3A_205 = vector.broadcast %sub3A_204 : f32 to vector<16xf32>
        %sub3A_206 = arith.subf %sub3A_205, %mul3A_203 : vector<16xf32>
        %mul3A_207 = arith.mulf %bitcast_convert_type3A_198, %sub3A_206 : vector<16xf32>
        %mul3A_208 = arith.mulf %mul3A_201, %mul3A_207 : vector<16xf32>
        %mul3A_209 = arith.mulf %mul3A_208, %mul3A_207 : vector<16xf32>
        %sub3A_210 = arith.constant 1.500000e+00 : f32
        %sub3A_211 = vector.broadcast %sub3A_210 : f32 to vector<16xf32>
        %sub3A_212 = arith.subf %sub3A_211, %mul3A_209 : vector<16xf32>
        %mul3A_213 = arith.mulf %mul3A_207, %sub3A_212 : vector<16xf32>
        %mul3A_214 = arith.mulf %add3A_190, %mul3A_213 : vector<16xf32>
        %add3A_215 = arith.addf %add3A_162, %mul3A_214 : vector<16xf32>
        %add3A_216 = arith.constant 32 : i32
        %add3A_217 = arith.addi %mul3A_110, %add3A_216 : i32
        %get3A_218 = arith.index_cast %add3A_217 : i32 to index
        %get3A_219 = tpu.vector_load %arg5[%get3A_218] {strides = array<i32>} : memref<5120xf32, #tpu.memory_space<vmem>>, vector<16xf32>,
        %get3A_220 = vector.shape_cast %get3A_219 : vector<16xf32> to vector<16xf32>
        %add3A_221 = arith.constant 32 : i32
        %add3A_222 = arith.addi %mul3A_112, %add3A_221 : i32
        %get3A_223 = arith.index_cast %add3A_222 : i32 to index
        %get3A_224 = tpu.vector_load %arg5[%get3A_223] {strides = array<i32>} : memref<5120xf32, #tpu.memory_space<vmem>>, vector<16xf32>,
        %get3A_225 = vector.shape_cast %get3A_224 : vector<16xf32> to vector<16xf32>
        %sub3A_226 = arith.subf %get3A_220, %get3A_225 : vector<16xf32>
        %add3A_227 = arith.constant 32 : i32
        %add3A_228 = arith.addi %mul3A_110, %add3A_227 : i32
        %get3A_229 = arith.index_cast %add3A_228 : i32 to index
        %get3A_230 = tpu.vector_load %arg6[%get3A_229] {strides = array<i32>} : memref<5120xf32, #tpu.memory_space<vmem>>, vector<16xf32>,
        %get3A_231 = vector.shape_cast %get3A_230 : vector<16xf32> to vector<16xf32>
        %add3A_232 = arith.constant 32 : i32
        %add3A_233 = arith.addi %mul3A_112, %add3A_232 : i32
        %get3A_234 = arith.index_cast %add3A_233 : i32 to index
        %get3A_235 = tpu.vector_load %arg6[%get3A_234] {strides = array<i32>} : memref<5120xf32, #tpu.memory_space<vmem>>, vector<16xf32>,
        %get3A_236 = vector.shape_cast %get3A_235 : vector<16xf32> to vector<16xf32>
        %sub3A_237 = arith.subf %get3A_231, %get3A_236 : vector<16xf32>
        %mul3A_238 = arith.mulf %sub3A_226, %sub3A_226 : vector<16xf32>
        %mul3A_239 = arith.mulf %sub3A_237, %sub3A_237 : vector<16xf32>
        %add3A_240 = arith.addf %mul3A_238, %mul3A_239 : vector<16xf32>
        %add3A_241 = arith.constant 9.99999971E-10 : f32
        %add3A_242 = vector.broadcast %add3A_241 : f32 to vector<16xf32>
        %add3A_243 = arith.addf %add3A_240, %add3A_242 : vector<16xf32>
        %bitcast_convert_type3A_244 = tpu.bitcast %add3A_243 : vector<16xf32> -> vector<16xi32>
        %shift_right_arithmetic3A_245 = arith.constant 1 : i32
        %shift_right_arithmetic3A_246 = vector.broadcast %shift_right_arithmetic3A_245 : i32 to vector<16xi32>
        %shift_right_arithmetic3A_247 = arith.shrsi %bitcast_convert_type3A_244, %shift_right_arithmetic3A_246 : vector<16xi32>
        %sub3A_248 = arith.constant 1597463007 : i32
        %sub3A_249 = vector.broadcast %sub3A_248 : i32 to vector<16xi32>
        %sub3A_250 = arith.subi %sub3A_249, %shift_right_arithmetic3A_247 : vector<16xi32>
        %bitcast_convert_type3A_251 = tpu.bitcast %sub3A_250 : vector<16xi32> -> vector<16xf32>
        %mul3A_252 = arith.constant 5.000000e-01 : f32
        %mul3A_253 = vector.broadcast %mul3A_252 : f32 to vector<16xf32>
        %mul3A_254 = arith.mulf %mul3A_253, %add3A_243 : vector<16xf32>
        %mul3A_255 = arith.mulf %mul3A_254, %bitcast_convert_type3A_251 : vector<16xf32>
        %mul3A_256 = arith.mulf %mul3A_255, %bitcast_convert_type3A_251 : vector<16xf32>
        %sub3A_257 = arith.constant 1.500000e+00 : f32
        %sub3A_258 = vector.broadcast %sub3A_257 : f32 to vector<16xf32>
        %sub3A_259 = arith.subf %sub3A_258, %mul3A_256 : vector<16xf32>
        %mul3A_260 = arith.mulf %bitcast_convert_type3A_251, %sub3A_259 : vector<16xf32>
        %mul3A_261 = arith.mulf %mul3A_254, %mul3A_260 : vector<16xf32>
        %mul3A_262 = arith.mulf %mul3A_261, %mul3A_260 : vector<16xf32>
        %sub3A_263 = arith.constant 1.500000e+00 : f32
        %sub3A_264 = vector.broadcast %sub3A_263 : f32 to vector<16xf32>
        %sub3A_265 = arith.subf %sub3A_264, %mul3A_262 : vector<16xf32>
        %mul3A_266 = arith.mulf %mul3A_260, %sub3A_265 : vector<16xf32>
        %mul3A_267 = arith.mulf %add3A_243, %mul3A_266 : vector<16xf32>
        %add3A_268 = arith.addf %add3A_215, %mul3A_267 : vector<16xf32>
        %add3A_269 = arith.constant 48 : i32
        %add3A_270 = arith.addi %mul3A_110, %add3A_269 : i32
        %get3A_271 = arith.index_cast %add3A_270 : i32 to index
        %get3A_272 = tpu.vector_load %arg5[%get3A_271] {strides = array<i32>} : memref<5120xf32, #tpu.memory_space<vmem>>, vector<16xf32>,
        %get3A_273 = vector.shape_cast %get3A_272 : vector<16xf32> to vector<16xf32>
        %add3A_274 = arith.constant 48 : i32
        %add3A_275 = arith.addi %mul3A_112, %add3A_274 : i32
        %get3A_276 = arith.index_cast %add3A_275 : i32 to index
        %get3A_277 = tpu.vector_load %arg5[%get3A_276] {strides = array<i32>} : memref<5120xf32, #tpu.memory_space<vmem>>, vector<16xf32>,
        %get3A_278 = vector.shape_cast %get3A_277 : vector<16xf32> to vector<16xf32>
        %sub3A_279 = arith.subf %get3A_273, %get3A_278 : vector<16xf32>
        %add3A_280 = arith.constant 48 : i32
        %add3A_281 = arith.addi %mul3A_110, %add3A_280 : i32
        %get3A_282 = arith.index_cast %add3A_281 : i32 to index
        %get3A_283 = tpu.vector_load %arg6[%get3A_282] {strides = array<i32>} : memref<5120xf32, #tpu.memory_space<vmem>>, vector<16xf32>,
        %get3A_284 = vector.shape_cast %get3A_283 : vector<16xf32> to vector<16xf32>
        %add3A_285 = arith.constant 48 : i32
        %add3A_286 = arith.addi %mul3A_112, %add3A_285 : i32
        %get3A_287 = arith.index_cast %add3A_286 : i32 to index
        %get3A_288 = tpu.vector_load %arg6[%get3A_287] {strides = array<i32>} : memref<5120xf32, #tpu.memory_space<vmem>>, vector<16xf32>,
        %get3A_289 = vector.shape_cast %get3A_288 : vector<16xf32> to vector<16xf32>
        %sub3A_290 = arith.subf %get3A_284, %get3A_289 : vector<16xf32>
        %mul3A_291 = arith.mulf %sub3A_279, %sub3A_279 : vector<16xf32>
        %mul3A_292 = arith.mulf %sub3A_290, %sub3A_290 : vector<16xf32>
        %add3A_293 = arith.addf %mul3A_291, %mul3A_292 : vector<16xf32>
        %add3A_294 = arith.constant 9.99999971E-10 : f32
        %add3A_295 = vector.broadcast %add3A_294 : f32 to vector<16xf32>
        %add3A_296 = arith.addf %add3A_293, %add3A_295 : vector<16xf32>
        %bitcast_convert_type3A_297 = tpu.bitcast %add3A_296 : vector<16xf32> -> vector<16xi32>
        %shift_right_arithmetic3A_298 = arith.constant 1 : i32
        %shift_right_arithmetic3A_299 = vector.broadcast %shift_right_arithmetic3A_298 : i32 to vector<16xi32>
        %shift_right_arithmetic3A_300 = arith.shrsi %bitcast_convert_type3A_297, %shift_right_arithmetic3A_299 : vector<16xi32>
        %sub3A_301 = arith.constant 1597463007 : i32
        %sub3A_302 = vector.broadcast %sub3A_301 : i32 to vector<16xi32>
        %sub3A_303 = arith.subi %sub3A_302, %shift_right_arithmetic3A_300 : vector<16xi32>
        %bitcast_convert_type3A_304 = tpu.bitcast %sub3A_303 : vector<16xi32> -> vector<16xf32>
        %mul3A_305 = arith.constant 5.000000e-01 : f32
        %mul3A_306 = vector.broadcast %mul3A_305 : f32 to vector<16xf32>
        %mul3A_307 = arith.mulf %mul3A_306, %add3A_296 : vector<16xf32>
        %mul3A_308 = arith.mulf %mul3A_307, %bitcast_convert_type3A_304 : vector<16xf32>
        %mul3A_309 = arith.mulf %mul3A_308, %bitcast_convert_type3A_304 : vector<16xf32>
        %sub3A_310 = arith.constant 1.500000e+00 : f32
        %sub3A_311 = vector.broadcast %sub3A_310 : f32 to vector<16xf32>
        %sub3A_312 = arith.subf %sub3A_311, %mul3A_309 : vector<16xf32>
        %mul3A_313 = arith.mulf %bitcast_convert_type3A_304, %sub3A_312 : vector<16xf32>
        %mul3A_314 = arith.mulf %mul3A_307, %mul3A_313 : vector<16xf32>
        %mul3A_315 = arith.mulf %mul3A_314, %mul3A_313 : vector<16xf32>
        %sub3A_316 = arith.constant 1.500000e+00 : f32
        %sub3A_317 = vector.broadcast %sub3A_316 : f32 to vector<16xf32>
        %sub3A_318 = arith.subf %sub3A_317, %mul3A_315 : vector<16xf32>
        %mul3A_319 = arith.mulf %mul3A_313, %sub3A_318 : vector<16xf32>
        %mul3A_320 = arith.mulf %add3A_296, %mul3A_319 : vector<16xf32>
        %add3A_321 = arith.addf %add3A_268, %mul3A_320 : vector<16xf32>
        %add3A_322 = arith.constant 64 : i32
        %add3A_323 = arith.addi %mul3A_110, %add3A_322 : i32
        %get3A_324 = arith.index_cast %add3A_323 : i32 to index
        %get3A_325 = tpu.vector_load %arg5[%get3A_324] {strides = array<i32>} : memref<5120xf32, #tpu.memory_space<vmem>>, vector<16xf32>,
        %get3A_326 = vector.shape_cast %get3A_325 : vector<16xf32> to vector<16xf32>
        %add3A_327 = arith.constant 64 : i32
        %add3A_328 = arith.addi %mul3A_112, %add3A_327 : i32
        %get3A_329 = arith.index_cast %add3A_328 : i32 to index
        %get3A_330 = tpu.vector_load %arg5[%get3A_329] {strides = array<i32>} : memref<5120xf32, #tpu.memory_space<vmem>>, vector<16xf32>,
        %get3A_331 = vector.shape_cast %get3A_330 : vector<16xf32> to vector<16xf32>
        %sub3A_332 = arith.subf %get3A_326, %get3A_331 : vector<16xf32>
        %add3A_333 = arith.constant 64 : i32
        %add3A_334 = arith.addi %mul3A_110, %add3A_333 : i32
        %get3A_335 = arith.index_cast %add3A_334 : i32 to index
        %get3A_336 = tpu.vector_load %arg6[%get3A_335] {strides = array<i32>} : memref<5120xf32, #tpu.memory_space<vmem>>, vector<16xf32>,
        %get3A_337 = vector.shape_cast %get3A_336 : vector<16xf32> to vector<16xf32>
        %add3A_338 = arith.constant 64 : i32
        %add3A_339 = arith.addi %mul3A_112, %add3A_338 : i32
        %get3A_340 = arith.index_cast %add3A_339 : i32 to index
        %get3A_341 = tpu.vector_load %arg6[%get3A_340] {strides = array<i32>} : memref<5120xf32, #tpu.memory_space<vmem>>, vector<16xf32>,
        %get3A_342 = vector.shape_cast %get3A_341 : vector<16xf32> to vector<16xf32>
        %sub3A_343 = arith.subf %get3A_337, %get3A_342 : vector<16xf32>
        %mul3A_344 = arith.mulf %sub3A_332, %sub3A_332 : vector<16xf32>
        %mul3A_345 = arith.mulf %sub3A_343, %sub3A_343 : vector<16xf32>
        %add3A_346 = arith.addf %mul3A_344, %mul3A_345 : vector<16xf32>
        %add3A_347 = arith.constant 9.99999971E-10 : f32
        %add3A_348 = vector.broadcast %add3A_347 : f32 to vector<16xf32>
        %add3A_349 = arith.addf %add3A_346, %add3A_348 : vector<16xf32>
        %bitcast_convert_type3A_350 = tpu.bitcast %add3A_349 : vector<16xf32> -> vector<16xi32>
        %shift_right_arithmetic3A_351 = arith.constant 1 : i32
        %shift_right_arithmetic3A_352 = vector.broadcast %shift_right_arithmetic3A_351 : i32 to vector<16xi32>
        %shift_right_arithmetic3A_353 = arith.shrsi %bitcast_convert_type3A_350, %shift_right_arithmetic3A_352 : vector<16xi32>
        %sub3A_354 = arith.constant 1597463007 : i32
        %sub3A_355 = vector.broadcast %sub3A_354 : i32 to vector<16xi32>
        %sub3A_356 = arith.subi %sub3A_355, %shift_right_arithmetic3A_353 : vector<16xi32>
        %bitcast_convert_type3A_357 = tpu.bitcast %sub3A_356 : vector<16xi32> -> vector<16xf32>
        %mul3A_358 = arith.constant 5.000000e-01 : f32
        %mul3A_359 = vector.broadcast %mul3A_358 : f32 to vector<16xf32>
        %mul3A_360 = arith.mulf %mul3A_359, %add3A_349 : vector<16xf32>
        %mul3A_361 = arith.mulf %mul3A_360, %bitcast_convert_type3A_357 : vector<16xf32>
        %mul3A_362 = arith.mulf %mul3A_361, %bitcast_convert_type3A_357 : vector<16xf32>
        %sub3A_363 = arith.constant 1.500000e+00 : f32
        %sub3A_364 = vector.broadcast %sub3A_363 : f32 to vector<16xf32>
        %sub3A_365 = arith.subf %sub3A_364, %mul3A_362 : vector<16xf32>
        %mul3A_366 = arith.mulf %bitcast_convert_type3A_357, %sub3A_365 : vector<16xf32>
        %mul3A_367 = arith.mulf %mul3A_360, %mul3A_366 : vector<16xf32>
        %mul3A_368 = arith.mulf %mul3A_367, %mul3A_366 : vector<16xf32>
        %sub3A_369 = arith.constant 1.500000e+00 : f32
        %sub3A_370 = vector.broadcast %sub3A_369 : f32 to vector<16xf32>
        %sub3A_371 = arith.subf %sub3A_370, %mul3A_368 : vector<16xf32>
        %mul3A_372 = arith.mulf %mul3A_366, %sub3A_371 : vector<16xf32>
        %mul3A_373 = arith.mulf %add3A_349, %mul3A_372 : vector<16xf32>
        %add3A_374 = arith.addf %add3A_321, %mul3A_373 : vector<16xf32>
        scf.yield %add3A_374 : vector<16xf32>
      }
      %scan3A_101 = arith.constant 64 : i32
      scf.yield %scan3A_100 : vector<16xf32>
    }
    %scan3A_72 = arith.constant 31 : i32
    %scan3A_73 = arith.constant 0 : i32
    %scan3A_74 = arith.constant 64 : i32
    %scan3A_75 = arith.addi %scan3A_73, %scan3A_74 : i32
    %scan3A_76 = arith.constant 1 : i32
    %scan3A_77 = scf.for %scan3A_94 = %scan3A_73 to %scan3A_75 step %scan3A_76 iter_args(%scan3A_95 = %scan3A_71) -> (vector<16xf32>)  : i32 {
      %add3A_96 = arith.constant 32 : i32
      %add3A_97 = arith.addi %scan3A_94, %add3A_96 : i32
      %lt3A = arith.constant 64 : i32
      %lt3A_98 = arith.cmpi slt, %add3A_97, %lt3A : i32
      %add3A_99 = arith.constant 32 : i32
      %add3A_100 = arith.addi %scan3A_94, %add3A_99 : i32
      %sub3A = arith.constant 32 : i32
      %sub3A_101 = arith.subi %scan3A_94, %sub3A : i32
      %select_n3A = arith.select %lt3A_98, %add3A_100, %sub3A_101 : i32
      %mul3A_102 = arith.constant 80 : i32
      %mul3A_103 = arith.muli %scan3A_94, %mul3A_102 : i32
      %mul3A_104 = arith.constant 80 : i32
      %mul3A_105 = arith.muli %select_n3A, %mul3A_104 : i32
      %add3A_106 = arith.constant 0 : i32
      %add3A_107 = arith.addi %mul3A_103, %add3A_106 : i32
      %get3A = arith.index_cast %add3A_107 : i32 to index
      %get3A_108 = tpu.vector_load %arg5[%get3A] {strides = array<i32>} : memref<5120xf32, #tpu.memory_space<vmem>>, vector<16xf32>,
      %get3A_109 = vector.shape_cast %get3A_108 : vector<16xf32> to vector<16xf32>
      %add3A_110 = arith.constant 0 : i32
      %add3A_111 = arith.addi %mul3A_105, %add3A_110 : i32
      %get3A_112 = arith.index_cast %add3A_111 : i32 to index
      %get3A_113 = tpu.vector_load %arg5[%get3A_112] {strides = array<i32>} : memref<5120xf32, #tpu.memory_space<vmem>>, vector<16xf32>,
      %get3A_114 = vector.shape_cast %get3A_113 : vector<16xf32> to vector<16xf32>
      %sub3A_115 = arith.subf %get3A_109, %get3A_114 : vector<16xf32>
      %add3A_116 = arith.constant 0 : i32
      %add3A_117 = arith.addi %mul3A_103, %add3A_116 : i32
      %get3A_118 = arith.index_cast %add3A_117 : i32 to index
      %get3A_119 = tpu.vector_load %arg6[%get3A_118] {strides = array<i32>} : memref<5120xf32, #tpu.memory_space<vmem>>, vector<16xf32>,
      %get3A_120 = vector.shape_cast %get3A_119 : vector<16xf32> to vector<16xf32>
      %add3A_121 = arith.constant 0 : i32
      %add3A_122 = arith.addi %mul3A_105, %add3A_121 : i32
      %get3A_123 = arith.index_cast %add3A_122 : i32 to index
      %get3A_124 = tpu.vector_load %arg6[%get3A_123] {strides = array<i32>} : memref<5120xf32, #tpu.memory_space<vmem>>, vector<16xf32>,
      %get3A_125 = vector.shape_cast %get3A_124 : vector<16xf32> to vector<16xf32>
      %sub3A_126 = arith.subf %get3A_120, %get3A_125 : vector<16xf32>
      %mul3A_127 = arith.mulf %sub3A_115, %sub3A_115 : vector<16xf32>
      %mul3A_128 = arith.mulf %sub3A_126, %sub3A_126 : vector<16xf32>
      %add3A_129 = arith.addf %mul3A_127, %mul3A_128 : vector<16xf32>
      %add3A_130 = arith.constant 9.99999971E-10 : f32
      %add3A_131 = vector.broadcast %add3A_130 : f32 to vector<16xf32>
      %add3A_132 = arith.addf %add3A_129, %add3A_131 : vector<16xf32>
      %bitcast_convert_type3A = tpu.bitcast %add3A_132 : vector<16xf32> -> vector<16xi32>
      %shift_right_arithmetic3A = arith.constant 1 : i32
      %shift_right_arithmetic3A_133 = vector.broadcast %shift_right_arithmetic3A : i32 to vector<16xi32>
      %shift_right_arithmetic3A_134 = arith.shrsi %bitcast_convert_type3A, %shift_right_arithmetic3A_133 : vector<16xi32>
      %sub3A_135 = arith.constant 1597463007 : i32
      %sub3A_136 = vector.broadcast %sub3A_135 : i32 to vector<16xi32>
      %sub3A_137 = arith.subi %sub3A_136, %shift_right_arithmetic3A_134 : vector<16xi32>
      %bitcast_convert_type3A_138 = tpu.bitcast %sub3A_137 : vector<16xi32> -> vector<16xf32>
      %mul3A_139 = arith.constant 5.000000e-01 : f32
      %mul3A_140 = vector.broadcast %mul3A_139 : f32 to vector<16xf32>
      %mul3A_141 = arith.mulf %mul3A_140, %add3A_132 : vector<16xf32>
      %mul3A_142 = arith.mulf %mul3A_141, %bitcast_convert_type3A_138 : vector<16xf32>
      %mul3A_143 = arith.mulf %mul3A_142, %bitcast_convert_type3A_138 : vector<16xf32>
      %sub3A_144 = arith.constant 1.500000e+00 : f32
      %sub3A_145 = vector.broadcast %sub3A_144 : f32 to vector<16xf32>
      %sub3A_146 = arith.subf %sub3A_145, %mul3A_143 : vector<16xf32>
      %mul3A_147 = arith.mulf %bitcast_convert_type3A_138, %sub3A_146 : vector<16xf32>
      %mul3A_148 = arith.mulf %mul3A_141, %mul3A_147 : vector<16xf32>
      %mul3A_149 = arith.mulf %mul3A_148, %mul3A_147 : vector<16xf32>
      %sub3A_150 = arith.constant 1.500000e+00 : f32
      %sub3A_151 = vector.broadcast %sub3A_150 : f32 to vector<16xf32>
      %sub3A_152 = arith.subf %sub3A_151, %mul3A_149 : vector<16xf32>
      %mul3A_153 = arith.mulf %mul3A_147, %sub3A_152 : vector<16xf32>
      %mul3A_154 = arith.mulf %add3A_132, %mul3A_153 : vector<16xf32>
      %mul3A_155 = arith.constant 5.000000e-01 : f32
      %mul3A_156 = vector.broadcast %mul3A_155 : f32 to vector<16xf32>
      %mul3A_157 = arith.mulf %mul3A_156, %mul3A_154 : vector<16xf32>
      %add3A_158 = arith.addf %scan3A_95, %mul3A_157 : vector<16xf32>
      %add3A_159 = arith.constant 16 : i32
      %add3A_160 = arith.addi %mul3A_103, %add3A_159 : i32
      %get3A_161 = arith.index_cast %add3A_160 : i32 to index
      %get3A_162 = tpu.vector_load %arg5[%get3A_161] {strides = array<i32>} : memref<5120xf32, #tpu.memory_space<vmem>>, vector<16xf32>,
      %get3A_163 = vector.shape_cast %get3A_162 : vector<16xf32> to vector<16xf32>
      %add3A_164 = arith.constant 16 : i32
      %add3A_165 = arith.addi %mul3A_105, %add3A_164 : i32
      %get3A_166 = arith.index_cast %add3A_165 : i32 to index
      %get3A_167 = tpu.vector_load %arg5[%get3A_166] {strides = array<i32>} : memref<5120xf32, #tpu.memory_space<vmem>>, vector<16xf32>,
      %get3A_168 = vector.shape_cast %get3A_167 : vector<16xf32> to vector<16xf32>
      %sub3A_169 = arith.subf %get3A_163, %get3A_168 : vector<16xf32>
      %add3A_170 = arith.constant 16 : i32
      %add3A_171 = arith.addi %mul3A_103, %add3A_170 : i32
      %get3A_172 = arith.index_cast %add3A_171 : i32 to index
      %get3A_173 = tpu.vector_load %arg6[%get3A_172] {strides = array<i32>} : memref<5120xf32, #tpu.memory_space<vmem>>, vector<16xf32>,
      %get3A_174 = vector.shape_cast %get3A_173 : vector<16xf32> to vector<16xf32>
      %add3A_175 = arith.constant 16 : i32
      %add3A_176 = arith.addi %mul3A_105, %add3A_175 : i32
      %get3A_177 = arith.index_cast %add3A_176 : i32 to index
      %get3A_178 = tpu.vector_load %arg6[%get3A_177] {strides = array<i32>} : memref<5120xf32, #tpu.memory_space<vmem>>, vector<16xf32>,
      %get3A_179 = vector.shape_cast %get3A_178 : vector<16xf32> to vector<16xf32>
      %sub3A_180 = arith.subf %get3A_174, %get3A_179 : vector<16xf32>
      %mul3A_181 = arith.mulf %sub3A_169, %sub3A_169 : vector<16xf32>
      %mul3A_182 = arith.mulf %sub3A_180, %sub3A_180 : vector<16xf32>
      %add3A_183 = arith.addf %mul3A_181, %mul3A_182 : vector<16xf32>
      %add3A_184 = arith.constant 9.99999971E-10 : f32
      %add3A_185 = vector.broadcast %add3A_184 : f32 to vector<16xf32>
      %add3A_186 = arith.addf %add3A_183, %add3A_185 : vector<16xf32>
      %bitcast_convert_type3A_187 = tpu.bitcast %add3A_186 : vector<16xf32> -> vector<16xi32>
      %shift_right_arithmetic3A_188 = arith.constant 1 : i32
      %shift_right_arithmetic3A_189 = vector.broadcast %shift_right_arithmetic3A_188 : i32 to vector<16xi32>
      %shift_right_arithmetic3A_190 = arith.shrsi %bitcast_convert_type3A_187, %shift_right_arithmetic3A_189 : vector<16xi32>
      %sub3A_191 = arith.constant 1597463007 : i32
      %sub3A_192 = vector.broadcast %sub3A_191 : i32 to vector<16xi32>
      %sub3A_193 = arith.subi %sub3A_192, %shift_right_arithmetic3A_190 : vector<16xi32>
      %bitcast_convert_type3A_194 = tpu.bitcast %sub3A_193 : vector<16xi32> -> vector<16xf32>
      %mul3A_195 = arith.constant 5.000000e-01 : f32
      %mul3A_196 = vector.broadcast %mul3A_195 : f32 to vector<16xf32>
      %mul3A_197 = arith.mulf %mul3A_196, %add3A_186 : vector<16xf32>
      %mul3A_198 = arith.mulf %mul3A_197, %bitcast_convert_type3A_194 : vector<16xf32>
      %mul3A_199 = arith.mulf %mul3A_198, %bitcast_convert_type3A_194 : vector<16xf32>
      %sub3A_200 = arith.constant 1.500000e+00 : f32
      %sub3A_201 = vector.broadcast %sub3A_200 : f32 to vector<16xf32>
      %sub3A_202 = arith.subf %sub3A_201, %mul3A_199 : vector<16xf32>
      %mul3A_203 = arith.mulf %bitcast_convert_type3A_194, %sub3A_202 : vector<16xf32>
      %mul3A_204 = arith.mulf %mul3A_197, %mul3A_203 : vector<16xf32>
      %mul3A_205 = arith.mulf %mul3A_204, %mul3A_203 : vector<16xf32>
      %sub3A_206 = arith.constant 1.500000e+00 : f32
      %sub3A_207 = vector.broadcast %sub3A_206 : f32 to vector<16xf32>
      %sub3A_208 = arith.subf %sub3A_207, %mul3A_205 : vector<16xf32>
      %mul3A_209 = arith.mulf %mul3A_203, %sub3A_208 : vector<16xf32>
      %mul3A_210 = arith.mulf %add3A_186, %mul3A_209 : vector<16xf32>
      %mul3A_211 = arith.constant 5.000000e-01 : f32
      %mul3A_212 = vector.broadcast %mul3A_211 : f32 to vector<16xf32>
      %mul3A_213 = arith.mulf %mul3A_212, %mul3A_210 : vector<16xf32>
      %add3A_214 = arith.addf %add3A_158, %mul3A_213 : vector<16xf32>
      %add3A_215 = arith.constant 32 : i32
      %add3A_216 = arith.addi %mul3A_103, %add3A_215 : i32
      %get3A_217 = arith.index_cast %add3A_216 : i32 to index
      %get3A_218 = tpu.vector_load %arg5[%get3A_217] {strides = array<i32>} : memref<5120xf32, #tpu.memory_space<vmem>>, vector<16xf32>,
      %get3A_219 = vector.shape_cast %get3A_218 : vector<16xf32> to vector<16xf32>
      %add3A_220 = arith.constant 32 : i32
      %add3A_221 = arith.addi %mul3A_105, %add3A_220 : i32
      %get3A_222 = arith.index_cast %add3A_221 : i32 to index
      %get3A_223 = tpu.vector_load %arg5[%get3A_222] {strides = array<i32>} : memref<5120xf32, #tpu.memory_space<vmem>>, vector<16xf32>,
      %get3A_224 = vector.shape_cast %get3A_223 : vector<16xf32> to vector<16xf32>
      %sub3A_225 = arith.subf %get3A_219, %get3A_224 : vector<16xf32>
      %add3A_226 = arith.constant 32 : i32
      %add3A_227 = arith.addi %mul3A_103, %add3A_226 : i32
      %get3A_228 = arith.index_cast %add3A_227 : i32 to index
      %get3A_229 = tpu.vector_load %arg6[%get3A_228] {strides = array<i32>} : memref<5120xf32, #tpu.memory_space<vmem>>, vector<16xf32>,
      %get3A_230 = vector.shape_cast %get3A_229 : vector<16xf32> to vector<16xf32>
      %add3A_231 = arith.constant 32 : i32
      %add3A_232 = arith.addi %mul3A_105, %add3A_231 : i32
      %get3A_233 = arith.index_cast %add3A_232 : i32 to index
      %get3A_234 = tpu.vector_load %arg6[%get3A_233] {strides = array<i32>} : memref<5120xf32, #tpu.memory_space<vmem>>, vector<16xf32>,
      %get3A_235 = vector.shape_cast %get3A_234 : vector<16xf32> to vector<16xf32>
      %sub3A_236 = arith.subf %get3A_230, %get3A_235 : vector<16xf32>
      %mul3A_237 = arith.mulf %sub3A_225, %sub3A_225 : vector<16xf32>
      %mul3A_238 = arith.mulf %sub3A_236, %sub3A_236 : vector<16xf32>
      %add3A_239 = arith.addf %mul3A_237, %mul3A_238 : vector<16xf32>
      %add3A_240 = arith.constant 9.99999971E-10 : f32
      %add3A_241 = vector.broadcast %add3A_240 : f32 to vector<16xf32>
      %add3A_242 = arith.addf %add3A_239, %add3A_241 : vector<16xf32>
      %bitcast_convert_type3A_243 = tpu.bitcast %add3A_242 : vector<16xf32> -> vector<16xi32>
      %shift_right_arithmetic3A_244 = arith.constant 1 : i32
      %shift_right_arithmetic3A_245 = vector.broadcast %shift_right_arithmetic3A_244 : i32 to vector<16xi32>
      %shift_right_arithmetic3A_246 = arith.shrsi %bitcast_convert_type3A_243, %shift_right_arithmetic3A_245 : vector<16xi32>
      %sub3A_247 = arith.constant 1597463007 : i32
      %sub3A_248 = vector.broadcast %sub3A_247 : i32 to vector<16xi32>
      %sub3A_249 = arith.subi %sub3A_248, %shift_right_arithmetic3A_246 : vector<16xi32>
      %bitcast_convert_type3A_250 = tpu.bitcast %sub3A_249 : vector<16xi32> -> vector<16xf32>
      %mul3A_251 = arith.constant 5.000000e-01 : f32
      %mul3A_252 = vector.broadcast %mul3A_251 : f32 to vector<16xf32>
      %mul3A_253 = arith.mulf %mul3A_252, %add3A_242 : vector<16xf32>
      %mul3A_254 = arith.mulf %mul3A_253, %bitcast_convert_type3A_250 : vector<16xf32>
      %mul3A_255 = arith.mulf %mul3A_254, %bitcast_convert_type3A_250 : vector<16xf32>
      %sub3A_256 = arith.constant 1.500000e+00 : f32
      %sub3A_257 = vector.broadcast %sub3A_256 : f32 to vector<16xf32>
      %sub3A_258 = arith.subf %sub3A_257, %mul3A_255 : vector<16xf32>
      %mul3A_259 = arith.mulf %bitcast_convert_type3A_250, %sub3A_258 : vector<16xf32>
      %mul3A_260 = arith.mulf %mul3A_253, %mul3A_259 : vector<16xf32>
      %mul3A_261 = arith.mulf %mul3A_260, %mul3A_259 : vector<16xf32>
      %sub3A_262 = arith.constant 1.500000e+00 : f32
      %sub3A_263 = vector.broadcast %sub3A_262 : f32 to vector<16xf32>
      %sub3A_264 = arith.subf %sub3A_263, %mul3A_261 : vector<16xf32>
      %mul3A_265 = arith.mulf %mul3A_259, %sub3A_264 : vector<16xf32>
      %mul3A_266 = arith.mulf %add3A_242, %mul3A_265 : vector<16xf32>
      %mul3A_267 = arith.constant 5.000000e-01 : f32
      %mul3A_268 = vector.broadcast %mul3A_267 : f32 to vector<16xf32>
      %mul3A_269 = arith.mulf %mul3A_268, %mul3A_266 : vector<16xf32>
      %add3A_270 = arith.addf %add3A_214, %mul3A_269 : vector<16xf32>
      %add3A_271 = arith.constant 48 : i32
      %add3A_272 = arith.addi %mul3A_103, %add3A_271 : i32
      %get3A_273 = arith.index_cast %add3A_272 : i32 to index
      %get3A_274 = tpu.vector_load %arg5[%get3A_273] {strides = array<i32>} : memref<5120xf32, #tpu.memory_space<vmem>>, vector<16xf32>,
      %get3A_275 = vector.shape_cast %get3A_274 : vector<16xf32> to vector<16xf32>
      %add3A_276 = arith.constant 48 : i32
      %add3A_277 = arith.addi %mul3A_105, %add3A_276 : i32
      %get3A_278 = arith.index_cast %add3A_277 : i32 to index
      %get3A_279 = tpu.vector_load %arg5[%get3A_278] {strides = array<i32>} : memref<5120xf32, #tpu.memory_space<vmem>>, vector<16xf32>,
      %get3A_280 = vector.shape_cast %get3A_279 : vector<16xf32> to vector<16xf32>
      %sub3A_281 = arith.subf %get3A_275, %get3A_280 : vector<16xf32>
      %add3A_282 = arith.constant 48 : i32
      %add3A_283 = arith.addi %mul3A_103, %add3A_282 : i32
      %get3A_284 = arith.index_cast %add3A_283 : i32 to index
      %get3A_285 = tpu.vector_load %arg6[%get3A_284] {strides = array<i32>} : memref<5120xf32, #tpu.memory_space<vmem>>, vector<16xf32>,
      %get3A_286 = vector.shape_cast %get3A_285 : vector<16xf32> to vector<16xf32>
      %add3A_287 = arith.constant 48 : i32
      %add3A_288 = arith.addi %mul3A_105, %add3A_287 : i32
      %get3A_289 = arith.index_cast %add3A_288 : i32 to index
      %get3A_290 = tpu.vector_load %arg6[%get3A_289] {strides = array<i32>} : memref<5120xf32, #tpu.memory_space<vmem>>, vector<16xf32>,
      %get3A_291 = vector.shape_cast %get3A_290 : vector<16xf32> to vector<16xf32>
      %sub3A_292 = arith.subf %get3A_286, %get3A_291 : vector<16xf32>
      %mul3A_293 = arith.mulf %sub3A_281, %sub3A_281 : vector<16xf32>
      %mul3A_294 = arith.mulf %sub3A_292, %sub3A_292 : vector<16xf32>
      %add3A_295 = arith.addf %mul3A_293, %mul3A_294 : vector<16xf32>
      %add3A_296 = arith.constant 9.99999971E-10 : f32
      %add3A_297 = vector.broadcast %add3A_296 : f32 to vector<16xf32>
      %add3A_298 = arith.addf %add3A_295, %add3A_297 : vector<16xf32>
      %bitcast_convert_type3A_299 = tpu.bitcast %add3A_298 : vector<16xf32> -> vector<16xi32>
      %shift_right_arithmetic3A_300 = arith.constant 1 : i32
      %shift_right_arithmetic3A_301 = vector.broadcast %shift_right_arithmetic3A_300 : i32 to vector<16xi32>
      %shift_right_arithmetic3A_302 = arith.shrsi %bitcast_convert_type3A_299, %shift_right_arithmetic3A_301 : vector<16xi32>
      %sub3A_303 = arith.constant 1597463007 : i32
      %sub3A_304 = vector.broadcast %sub3A_303 : i32 to vector<16xi32>
      %sub3A_305 = arith.subi %sub3A_304, %shift_right_arithmetic3A_302 : vector<16xi32>
      %bitcast_convert_type3A_306 = tpu.bitcast %sub3A_305 : vector<16xi32> -> vector<16xf32>
      %mul3A_307 = arith.constant 5.000000e-01 : f32
      %mul3A_308 = vector.broadcast %mul3A_307 : f32 to vector<16xf32>
      %mul3A_309 = arith.mulf %mul3A_308, %add3A_298 : vector<16xf32>
      %mul3A_310 = arith.mulf %mul3A_309, %bitcast_convert_type3A_306 : vector<16xf32>
      %mul3A_311 = arith.mulf %mul3A_310, %bitcast_convert_type3A_306 : vector<16xf32>
      %sub3A_312 = arith.constant 1.500000e+00 : f32
      %sub3A_313 = vector.broadcast %sub3A_312 : f32 to vector<16xf32>
      %sub3A_314 = arith.subf %sub3A_313, %mul3A_311 : vector<16xf32>
      %mul3A_315 = arith.mulf %bitcast_convert_type3A_306, %sub3A_314 : vector<16xf32>
      %mul3A_316 = arith.mulf %mul3A_309, %mul3A_315 : vector<16xf32>
      %mul3A_317 = arith.mulf %mul3A_316, %mul3A_315 : vector<16xf32>
      %sub3A_318 = arith.constant 1.500000e+00 : f32
      %sub3A_319 = vector.broadcast %sub3A_318 : f32 to vector<16xf32>
      %sub3A_320 = arith.subf %sub3A_319, %mul3A_317 : vector<16xf32>
      %mul3A_321 = arith.mulf %mul3A_315, %sub3A_320 : vector<16xf32>
      %mul3A_322 = arith.mulf %add3A_298, %mul3A_321 : vector<16xf32>
      %mul3A_323 = arith.constant 5.000000e-01 : f32
      %mul3A_324 = vector.broadcast %mul3A_323 : f32 to vector<16xf32>
      %mul3A_325 = arith.mulf %mul3A_324, %mul3A_322 : vector<16xf32>
      %add3A_326 = arith.addf %add3A_270, %mul3A_325 : vector<16xf32>
      %add3A_327 = arith.constant 64 : i32
      %add3A_328 = arith.addi %mul3A_103, %add3A_327 : i32
      %get3A_329 = arith.index_cast %add3A_328 : i32 to index
      %get3A_330 = tpu.vector_load %arg5[%get3A_329] {strides = array<i32>} : memref<5120xf32, #tpu.memory_space<vmem>>, vector<16xf32>,
      %get3A_331 = vector.shape_cast %get3A_330 : vector<16xf32> to vector<16xf32>
      %add3A_332 = arith.constant 64 : i32
      %add3A_333 = arith.addi %mul3A_105, %add3A_332 : i32
      %get3A_334 = arith.index_cast %add3A_333 : i32 to index
      %get3A_335 = tpu.vector_load %arg5[%get3A_334] {strides = array<i32>} : memref<5120xf32, #tpu.memory_space<vmem>>, vector<16xf32>,
      %get3A_336 = vector.shape_cast %get3A_335 : vector<16xf32> to vector<16xf32>
      %sub3A_337 = arith.subf %get3A_331, %get3A_336 : vector<16xf32>
      %add3A_338 = arith.constant 64 : i32
      %add3A_339 = arith.addi %mul3A_103, %add3A_338 : i32
      %get3A_340 = arith.index_cast %add3A_339 : i32 to index
      %get3A_341 = tpu.vector_load %arg6[%get3A_340] {strides = array<i32>} : memref<5120xf32, #tpu.memory_space<vmem>>, vector<16xf32>,
      %get3A_342 = vector.shape_cast %get3A_341 : vector<16xf32> to vector<16xf32>
      %add3A_343 = arith.constant 64 : i32
      %add3A_344 = arith.addi %mul3A_105, %add3A_343 : i32
      %get3A_345 = arith.index_cast %add3A_344 : i32 to index
      %get3A_346 = tpu.vector_load %arg6[%get3A_345] {strides = array<i32>} : memref<5120xf32, #tpu.memory_space<vmem>>, vector<16xf32>,
      %get3A_347 = vector.shape_cast %get3A_346 : vector<16xf32> to vector<16xf32>
      %sub3A_348 = arith.subf %get3A_342, %get3A_347 : vector<16xf32>
      %mul3A_349 = arith.mulf %sub3A_337, %sub3A_337 : vector<16xf32>
      %mul3A_350 = arith.mulf %sub3A_348, %sub3A_348 : vector<16xf32>
      %add3A_351 = arith.addf %mul3A_349, %mul3A_350 : vector<16xf32>
      %add3A_352 = arith.constant 9.99999971E-10 : f32
      %add3A_353 = vector.broadcast %add3A_352 : f32 to vector<16xf32>
      %add3A_354 = arith.addf %add3A_351, %add3A_353 : vector<16xf32>
      %bitcast_convert_type3A_355 = tpu.bitcast %add3A_354 : vector<16xf32> -> vector<16xi32>
      %shift_right_arithmetic3A_356 = arith.constant 1 : i32
      %shift_right_arithmetic3A_357 = vector.broadcast %shift_right_arithmetic3A_356 : i32 to vector<16xi32>
      %shift_right_arithmetic3A_358 = arith.shrsi %bitcast_convert_type3A_355, %shift_right_arithmetic3A_357 : vector<16xi32>
      %sub3A_359 = arith.constant 1597463007 : i32
      %sub3A_360 = vector.broadcast %sub3A_359 : i32 to vector<16xi32>
      %sub3A_361 = arith.subi %sub3A_360, %shift_right_arithmetic3A_358 : vector<16xi32>
      %bitcast_convert_type3A_362 = tpu.bitcast %sub3A_361 : vector<16xi32> -> vector<16xf32>
      %mul3A_363 = arith.constant 5.000000e-01 : f32
      %mul3A_364 = vector.broadcast %mul3A_363 : f32 to vector<16xf32>
      %mul3A_365 = arith.mulf %mul3A_364, %add3A_354 : vector<16xf32>
      %mul3A_366 = arith.mulf %mul3A_365, %bitcast_convert_type3A_362 : vector<16xf32>
      %mul3A_367 = arith.mulf %mul3A_366, %bitcast_convert_type3A_362 : vector<16xf32>
      %sub3A_368 = arith.constant 1.500000e+00 : f32
      %sub3A_369 = vector.broadcast %sub3A_368 : f32 to vector<16xf32>
      %sub3A_370 = arith.subf %sub3A_369, %mul3A_367 : vector<16xf32>
      %mul3A_371 = arith.mulf %bitcast_convert_type3A_362, %sub3A_370 : vector<16xf32>
      %mul3A_372 = arith.mulf %mul3A_365, %mul3A_371 : vector<16xf32>
      %mul3A_373 = arith.mulf %mul3A_372, %mul3A_371 : vector<16xf32>
      %sub3A_374 = arith.constant 1.500000e+00 : f32
      %sub3A_375 = vector.broadcast %sub3A_374 : f32 to vector<16xf32>
      %sub3A_376 = arith.subf %sub3A_375, %mul3A_373 : vector<16xf32>
      %mul3A_377 = arith.mulf %mul3A_371, %sub3A_376 : vector<16xf32>
      %mul3A_378 = arith.mulf %add3A_354, %mul3A_377 : vector<16xf32>
      %mul3A_379 = arith.constant 5.000000e-01 : f32
      %mul3A_380 = vector.broadcast %mul3A_379 : f32 to vector<16xf32>
      %mul3A_381 = arith.mulf %mul3A_380, %mul3A_378 : vector<16xf32>
      %add3A_382 = arith.addf %add3A_326, %mul3A_381 : vector<16xf32>
      scf.yield %add3A_382 : vector<16xf32>
    }
    %scan3A_78 = arith.constant 64 : i32
    %swap3A = arith.constant 0 : index
    %swap3A_79 = tpu.vector_load %arg7[%swap3A] {strides = array<i32>} : memref<16xf32, #tpu.memory_space<vmem>>, vector<16xf32>,
    %swap3A_80 = vector.shape_cast %swap3A_79 : vector<16xf32> to vector<16xf32>
    %swap3A_81 = vector.shape_cast %scan3A_77 : vector<16xf32> to vector<16xf32>
    tpu.vector_store %arg7[%swap3A], %swap3A_81 {strides = array<i32>} : memref<16xf32, #tpu.memory_space<vmem>>, vector<16xf32>,
    %dma_start3A_82 = arith.constant 0 : i32
    %dma_start3A_83 = tpu.memref_slice %arg4[%add3A, %dma_start3A_82] : memref<32x16xf32, #tpu.memory_space<hbm>> -> memref<1x16xf32, #tpu.memory_space<hbm>>
    %dma_start3A_84 = tpu.memref_squeeze %dma_start3A_83 : memref<1x16xf32, #tpu.memory_space<hbm>> -> memref<16xf32, #tpu.memory_space<hbm>>
    %dma_start3A_85 = arith.constant 0 : i32
    %dma_start3A_86 = tpu.memref_slice %arg4[%add3A, %dma_start3A_85] : memref<32x16xf32, #tpu.memory_space<hbm>> -> memref<1x16xf32, #tpu.memory_space<hbm>>
    %dma_start3A_87 = tpu.memref_squeeze %dma_start3A_86 : memref<1x16xf32, #tpu.memory_space<hbm>> -> memref<16xf32, #tpu.memory_space<hbm>>
    tpu.enqueue_dma source(%arg7 : memref<16xf32, #tpu.memory_space<vmem>>) target(%dma_start3A_87 : memref<16xf32, #tpu.memory_space<hbm>>) target_semaphore(%arg8 : memref<!tpu.dma_semaphore, #tpu.memory_space<semaphore_mem>>)
    %dma_wait3A_88 = arith.constant 0 : i32
    %dma_wait3A_89 = tpu.memref_slice %arg4[%add3A, %dma_wait3A_88] : memref<32x16xf32, #tpu.memory_space<hbm>> -> memref<1x16xf32, #tpu.memory_space<hbm>>
    %dma_wait3A_90 = tpu.memref_squeeze %dma_wait3A_89 : memref<1x16xf32, #tpu.memory_space<hbm>> -> memref<16xf32, #tpu.memory_space<hbm>>
    %dma_wait3A_91 = arith.constant 0 : i32
    %dma_wait3A_92 = tpu.memref_slice %arg4[%add3A, %dma_wait3A_91] : memref<32x16xf32, #tpu.memory_space<hbm>> -> memref<1x16xf32, #tpu.memory_space<hbm>>
    %dma_wait3A_93 = tpu.memref_squeeze %dma_wait3A_92 : memref<1x16xf32, #tpu.memory_space<hbm>> -> memref<16xf32, #tpu.memory_space<hbm>>
    tpu.wait_dma2 semaphore(%arg8 : memref<!tpu.dma_semaphore, #tpu.memory_space<semaphore_mem>>) src(%arg7 : memref<16xf32, #tpu.memory_space<vmem>>) dst(%dma_wait3A_93 : memref<16xf32, #tpu.memory_space<hbm>>)
    return
  }
}

</mosaic_0001>

<sc_bundles>
// kernel: kernel.3.cloned.1.call-start
scs
__scs_entry_jumppad:
0x0: {  	(pc) =	sbr.rel $0x88, $3  }
0x1: {  	(tag) =	ssettag $0x0;
	lr =	simm.s32 $0x1  }
0x2: {  	[smem:$0x3FA0] =	sst lr;
	_ =	strace $0xD0000000  }
0x3: {  	_ = 	snop  }
0x4: {  	_ = 	snop  }
0x5: {  	_ = 	snop  }
0x6: {  	_ = 	snop  }
0x7: {  	_ = 	snop  }
__scs_overlays_trampoline_lowered:
0x8: {  	[smem:$0x3FAF] =	sst s0  }
0x9: {  	[smem:$0x3FB0] =	sst s1  }
0xa: {  	[smem:$0x3FB1] =	sst s2  }
0xb: {  	[smem:$0x3FB2] =	sst s3  }
0xc: {  	[smem:$0x3FB3] =	sst s4  }
0xd: {  	[smem:$0x3FB4] =	sst s5  }
0xe: {  	[smem:$0x3FB5] =	sst s6  }
0xf: {  	[smem:$0x3FB6] =	sst s7  }
0x10: {  	[smem:$0x3FB7] =	sst s8  }
0x11: {  	[smem:$0x3FB8] =	sst s9;
	s0 =	simm.s32 @!p0 $0x0  }
0x12: {  	s1 =	sld [smem:$0x3F9E];
	s0 =	simm.s32 @p0 $0x1  }
0x13: {  	[smem:$0x3FB9] =	sst s0;
	s0 =	simm.s32 @!p1 $0x0  }
0x14: {  	s2 =	sld [smem:$0x3F9D];
	s0 =	simm.s32 @p1 $0x1  }
0x15: {  	[smem:$0x3FBA] =	sst s0;
	s0 =	simm.s32 @!p2 $0x0  }
0x16: {  	s3 =	sld [smem:$0x3FDB];
	s0 =	simm.s32 @p2 $0x1  }
0x17: {  	s4 =	simm.s32 $0x1BF5;
	[smem:$0x3FBC] =	sst s0  }
0x18: {  	s0 =	sld [smem:$0x3F9F];
	_ =	swait.ge [sflag:s4], $0x0  }
0x19: {  	s7 =	sld [smem:$0x3FA0]  }
0x1a: {  	s8 =	sadd.s32 $0xFFFFE003, lr  }
0x1b: {  	s9 =	sadd.s32 $0xFFFFFEF7, lr;
	s5 =	simm.s32 $0xFFFFFFFF;
	p2 =	slt.u32 s8, $0xFFFFF086  }
0x1c: {  	p1 =	slt.u32 s9, $0xF7A;
	s5 =	simm.s32 @!p2 $0x0  }
0x1d: {  	s5 =	simm.s32 @p1 $0x1;
	p0 =	seq.s32 s7, s2  }
0x1e: {  	s7 =	smul.u32 @!p0 $0xF7A, s2;
	p2 =	seq.s32 @!p0 s5, $0x0  }
0x1f: {  	s9 =	smul.u32 $0xF7A, s1;
	s8 =	simm.s32 @!p0 $0x1BF5;
	p2 =	por !p2, p0  }
0x20: {  	[sflag:s8] =	ssyncset.s32 @!p0 $0xFFFFF086;
	s6 =	sadd.s32 @!p0 s3, s7;
	s7 =	simm.s32 @!p0 $0x108  }
0x21: {  	s3 =	sadd.s32 s3, s9;
	s6 =	sadd.s32 @!p0 $0x88, s6;
	s7 =	simm.s32 @p2 $0x1082  }
0x22: {  	[simem:s7], [sflag:s8] =	dma.local @!p0 [hbm:s6], $0xF7A  }
0x23: {  	s9 =	sor.u32 $0xD0000000, s2;
	s6 =	simm.s32 $0x108;
	_ =	swait.ge @!p0 [sflag:s8], $0x0  }
0x24: {  	s3 =	sadd.s32 $0x88, s3;
	s6 =	simm.s32 @!p1 $0x1082;
	[sflag:s4] =	ssyncset.s32 $0xFFFFF086  }
0x25: {  	[simem:s6], [sflag:s4] =	dma.local [hbm:s3], $0xF7A  }
0x26: {  	[smem:$0x3FA0] =	sst s1;
	(tag) =	ssettag s2;
	_ =	strace s9  }
0x27: {  	s1 =	sld [smem:$0x3FB0]  }
0x28: {  	s2 =	sld [smem:$0x3FB1]  }
0x29: {  	s4 =	sld [smem:$0x3FB3]  }
0x2a: {  	p0 =	seq.s32 s5, $0x0;
	s5 =	sld [smem:$0x3FB4]  }
0x2b: {  	s6 =	sld [smem:$0x3FB5]  }
0x2c: {  	s7 =	sld [smem:$0x3FB6]  }
0x2d: {  	s3 =	simm.s32 $0x108;
	s8 =	sld [smem:$0x3FB7]  }
0x2e: {  	s3 =	simm.s32 @!p0 $0x1082;
	s9 =	sld [smem:$0x3FB8]  }
0x2f: {  	lr =	sadd.s32 s0, s3;
	s0 =	sld [smem:$0x3FAF]  }
0x30: {  	s3 =	sld [smem:$0x3FB2]  }
0x31: {  	[smem:$0x3FBB] =	sst s10  }
0x32: {  	s10 =	sld [smem:$0x3FB9];
	_ =	sdelay $0x3  }
0x33: {  	p0 =	seq.s32 s10, $0x1;
	s10 =	sld [smem:$0x3FBB];
	_ =	sdelay $0x3  }
0x34: {  	[smem:$0x3FBB] =	sst s10  }
0x35: {  	s10 =	sld [smem:$0x3FBA];
	_ =	sdelay $0x3  }
0x36: {  	p1 =	seq.s32 s10, $0x1;
	s10 =	sld [smem:$0x3FBB];
	_ =	sdelay $0x3  }
0x37: {  	[smem:$0x3FBB] =	sst s10  }
0x38: {  	s10 =	sld [smem:$0x3FBC]  }
0x39: {  	_ = 	snop;
	(pc) =	sbr.ind lr, $3  }
0x3a: {  	_ = 	snop  }
0x3b: {  	_ = 	snop  }
0x3c: {  	p2 =	seq.s32 s10, $0x1;
	s10 =	sld [smem:$0x3FBB]  }
0x3d: {  	_ =	shalt  }
0x3e: {  	_ =	shalt  }
0x3f: {  	_ =	shalt  }
0x40: {  	_ =	shalt  }
0x41: {  	_ =	shalt  }
0x42: {  	_ =	shalt  }
0x43: {  	_ =	shalt  }
0x44: {  	_ =	shalt  }
0x45: {  	_ =	shalt  }
0x46: {  	_ =	shalt  }
0x47: {  	_ =	shalt  }
0x48: {  	_ =	shalt  }
0x49: {  	_ =	shalt  }
0x4a: {  	_ =	shalt  }
0x4b: {  	_ =	shalt  }
0x4c: {  	_ =	shalt  }
0x4d: {  	_ =	shalt  }
0x4e: {  	_ =	shalt  }
0x4f: {  	_ =	shalt  }
0x50: {  	_ =	shalt  }
0x51: {  	_ =	shalt  }
0x52: {  	_ =	shalt  }
0x53: {  	_ =	shalt  }
0x54: {  	_ =	shalt  }
0x55: {  	_ =	shalt  }
0x56: {  	_ =	shalt  }
0x57: {  	_ =	shalt  }
0x58: {  	_ =	shalt  }
0x59: {  	_ =	shalt  }
0x5a: {  	_ =	shalt  }
0x5b: {  	_ =	shalt  }
0x5c: {  	_ =	shalt  }
0x5d: {  	_ =	shalt  }
0x5e: {  	_ =	shalt  }
0x5f: {  	_ =	shalt  }
0x60: {  	_ =	shalt  }
0x61: {  	_ =	shalt  }
0x62: {  	_ =	shalt  }
0x63: {  	_ =	shalt  }
0x64: {  	_ =	shalt  }
0x65: {  	_ =	shalt  }
0x66: {  	_ =	shalt  }
0x67: {  	_ =	shalt  }
0x68: {  	_ =	shalt  }
0x69: {  	_ =	shalt  }
0x6a: {  	_ =	shalt  }
0x6b: {  	_ =	shalt  }
0x6c: {  	_ =	shalt  }
0x6d: {  	_ =	shalt  }
0x6e: {  	_ =	shalt  }
0x6f: {  	_ =	shalt  }
0x70: {  	_ =	shalt  }
0x71: {  	_ =	shalt  }
0x72: {  	_ =	shalt  }
0x73: {  	_ =	shalt  }
0x74: {  	_ =	shalt  }
0x75: {  	_ =	shalt  }
0x76: {  	_ =	shalt  }
0x77: {  	_ =	shalt  }
0x78: {  	_ =	shalt  }
0x79: {  	_ =	shalt  }
0x7a: {  	_ =	shalt  }
0x7b: {  	_ =	shalt  }
0x7c: {  	_ =	shalt  }
0x7d: {  	_ =	shalt  }
0x7e: {  	_ =	shalt  }
0x7f: {  	_ =	shalt  }
0x80: {  	_ =	shalt  }
0x81: {  	_ =	shalt  }
0x82: {  	_ =	shalt  }
0x83: {  	_ =	shalt  }
0x84: {  	_ =	shalt  }
0x85: {  	_ =	shalt  }
0x86: {  	_ =	shalt  }
0x87: {  	_ =	shalt  }
.Lfunc_end0:
.L_simem_size_0:
called_computation_lowered:
.L_overlay_start_0:
0x88: {  	s2 =	sld [smem:$0x3FD9]  }
0x89: {  	s3 =	sld [smem:$0x3FFE];
	_ =	sdelay $0x1  }
0x8a: {  	s1 =	srdreg.scid  }
0x8b: {  	s0 =	sand.u32 $0x1, s1  }
0x8c: {  	s16 =	sshll.u32 s0, $0xA;
	s2 =	sadd.s32 s3, s2  }
0x8d: {  	s2 =	sadd.s32 s2, s16  }
0x8e: {  	[smem:$0x3FC7] =	sst s2  }
0x8f: {  	_ = 	snop  }
0x90: {  	(tm) =	ssettm $0x1  }
0x91: {  	s17 =	sld [smem:$0x3FFB];
	_ =	sdelay $0x3  }
0x92: {  	_ =	strace s17  }
0x93: {  	s2 =	sld [smem:$0x3FFC];
	_ =	sdelay $0x3  }
0x94: {  	_ =	strace s2  }
0x95: {  	s2 =	sld [smem:$0x3FFD];
	_ =	sdelay $0x3  }
0x96: {  	_ =	strace s2  }
0x97: {  	_ =	strace $0x8FFFFFFF  }
0x98: {  	s18 =	sld [smem:$0x3FDB];
	_ =	sdelay $0x1  }
0x99: {  	s19 =	simm.s32 $_scs_section_size  }
0x9a: {  	s4 =	simm.s32 $_size__tile_overlayer_lowered;
	s5 =	simm.s32 $_tile_overlayer_lowered  }
0x9b: {  	s22 =	simm.s32 $0x1BFF;
	s21 =	sshll.u32 s5, $0x1;
	s2 =	sadd.s32 s19, s18  }
0x9c: {  	s6 =	simm.s32 $0x0;
	s20 =	sshll.u32 s4, $0x1;
	s4 =	sadd.s32 s21, s2  }
0x9d: {  	[timem:s6], [sflag:s22] =	dma.local [hbm:s4], s20  }
0x9e: {  	_ =	swait.ge [sflag:s22], s20  }
0x9f: {  	s3 =	ssub.s32 $0x0, s20;
	[sflag:s22] =	ssyncset.done $0x0  }
0xa0: {  	[sflag:s22] =	ssyncadd.s32 s3;
	_ =	sdelay $0x1  }
0xa1: {  	s23 =	simm.s32 $0x1B8B  }
0xa2: {  	_ =	swait.ge [sflag:s23], $0x1  }
0xa3: {  	[sflag:s23] =	ssyncset.done $0x0  }
0xa4: {  	s25 =	simm.s32 $0x1B8E;
	s24 =	sld [smem:$0x3FFE];
	[sflag:s23] =	ssyncadd.s32 $0xFFFFFFFF  }
0xa5: {  	s26 =	simm.s32 $execute0_lowered;
	[smem:$0x3FD2] =	sst s25  }
0xa6: {  	s4 =	sshll.u32 s26, $0x1;
	_ =	strace $0x80000046;
	[dreg:$0x1] =	wrdreg $0xFFFFFFFF  }
0xa7: {  	s28 =	simm.s32 $_size_execute0_lowered;
	s2 =	sadd.s32 s2, s4;
	[dreg:$0x0] =	wrdreg $0x0  }
0xa8: {  	s4 =	sshll.u32 s28, $0x1;
	[dreg:$0x2] =	wrdreg s2  }
0xa9: {  	[dreg:$0x3] =	wrdreg s4  }
0xaa: {  	[dreg:$0x4] =	wrdreg $0xC0  }
0xab: {  	_ =	task [dreg:s6], $0x5FFFF  }
0xac: {  	[dreg:$0x1] =	wrdreg $0xFFFFFFFF  }
0xad: {  	[dreg:$0x0] =	wrdreg $0x60  }
0xae: {  	[dreg:$0x2] =	wrdreg s24  }
0xaf: {  	[dreg:$0x3] =	wrdreg $0x9  }
0xb0: {  	_ =	task.clear_ibuf [dreg:s6], $0x4FFFF;
	_ =	strace $0x90000046  }
0xb1: {  	s29 =	simm.s32 $0x9;
	_ =	strace $0x80000048  }
0xb2: {  	_ =	swait.ge [sflag:s29], $0x1  }
0xb3: {  	[sflag:s29] =	ssyncadd.s32 $0xFFFFFFFF  }
0xb4: {  	_ =	strace $0x90000048  }
0xb5: {  	_ =	sfence  }
0xb6: {  	s30 =	sld [smem:$0x0];
	_ =	sdelay $0x2  }
0xb7: {  	s31 =	sshll.u32 s1, $0xD;
	s1 =	sshrl.u32 s1, $0x2  }
0xb8: {  	s3 =	sand.u32 $0x4000, s31;
	s1 =	sadd.s32 s1, s30  }
0xb9: {  	s0 =	sor.u32 s3, s0;
	s1 =	sshll.u32 s1, $0x11  }
0xba: {  	s0 =	sor.u32 s1, s0  }
0xbb: {  	s0 =	sadd.s32 $0x8F2B, s0  }
0xbc: {  	[sflag:s0] =	ssyncadd.remote.s32 $0x1  }
0xbd: {  	_ =	sfence.sel $0xFFFF  }
0xbe: {  	[dreg:$0x0] =	wrdreg $0xFFFFFFFF;
	(pc) =	sbr.abs _section_cstart, $3  }
0xbf: {  	[dreg:$0x1] =	wrdreg $0xFFFFFFFF  }
0xc0: {  	_ =	task.clear_ibuf [dreg:s6], $0x2FFFF;
	_ =	strace $0x9FFFFFFF  }
0xc1: {  	(tm) =	ssettm $0x7FFFFFFF  }
tec
execute0_lowered:
.L_overlay_start_1:
0x0: {  	(tag) =	ssettag $0x1  }
0x1: {  	s6 =	rddreg [dreg:$0x0];
	s2 =	srdreg.scid  }
0x2: {  	s1 =	stileid.u32;
	s0 =	rddreg [dreg:$0x1];
	s11 =	simm.s32 $0x1400  }
0x3: {  	s12 =	simm.s32 $0x2800;
	s13 =	simm.s32 $0x1;
	s14 =	simm.s32 $0x0  }
0x4: {  	s3 =	sand.u32 $0x1, s2;
	s4 =	sshll.u32 s1, $0x1;
	s2 =	simm.s32 $0x0  }
0x5: {  	s5 =	sshrl.u32 s1, $0x1;
	s8 =	sadd.s32 $0xA000, s6;
	s4 =	sor.u32 s3, s4  }
0x6: {  	[smem:$0x7FF] =	sst s2;
	s5 =	smul.u32 $0xA000, s5;
	s7 =	sshll.u32 s4, $0x8  }
0x7: {  	s3 =	ssub.s32 $0x2, s3;
	_ =	strace $0x80000047;
	s7 =	sand.u32 $0x300, s7  }
0x8: {  	s4 =	sshll.u32 s4, $0x4;
	s30 =	sshrl.u32 s3, $0x1;
	s5 =	sor.u32 s5, s7  }
0x9: {  	s9 =	sadd.s32 s4, s6;
	s10 =	ssub.s32 s3, s30;
	s5 =	sshrl.u32 s5, $0x3  }
0xa: {  	s7 =	sadd.s32 $0x14000, s9;
	s9 =	simm.s32 $0x80;
	s31 =	sor.u32 $0x10, s5  }
0xb: {  	s3 =	sadd.s32 s8, s5;
	s4 =	sadd.s32 s6, s5;
	s5 =	sadd.s32 s8, s31  }
0xc: {  	s6 =	sadd.s32 s6, s31;
	s8 =	smax.u32 s10, $0x1;
	s10 =	simm.s32 $0x400  }
.LBB2_1:
0xd: {  	[tilespmem:s2], [sflag:$0x1] =	stream.strided.gather [hbm4b:s3+s9], $0x1400, s10, s9, $0x38;
	[tilespmem:$0x2880] =	vst v63  }
0xe: {  	_ =	swait.ge [sflag:s13], $0x1400  }
0xf: {  	[sflag:s13] =	ssyncset.done $0x0  }
0x10: {  	[sflag:s13] =	ssyncadd.s32 $0xFFFFEC00  }
0x11: {  	[tilespmem:s11], [sflag:$0x1] =	stream.strided.gather [hbm4b:s4+s9], $0x1400, s10, s9, $0x38;
	[tilespmem:$0x2880] =	vst v63  }
0x12: {  	_ =	swait.ge [sflag:s13], $0x1400  }
0x13: {  	[sflag:s13] =	ssyncset.done $0x0  }
0x14: {  	v0 =	vimm.f32 $0.0e+00;
	s15 =	simm.s32 $0x1;
	[sflag:s13] =	ssyncadd.s32 $0xFFFFEC00  }
.LBB2_2:
0x15: {  	s17 =	simm.s32 $0x0  }
0x16: {  	v5 =	vld [tilespmem:s17+$0x40]  }
0x17: {  	v6 =	vld [tilespmem:s17+$0x1440]  }
0x18: {  	v10 =	vld [tilespmem:s17+$0x20]  }
0x19: {  	s16 =	sadd.s32 $0xFFFFFFC0, s15;
	v11 =	vld [tilespmem:s17+$0x1420]  }
0x1a: {  	s16 =	smin.u32 s15, s16;
	v12 =	vld [tilespmem:s17+$0x30]  }
0x1b: {  	v13 =	vld [tilespmem:s17+$0x1430];
	s16 =	smul.u32 $0x50, s16  }
0x1c: {  	v14 =	vld [tilespmem:s17+$0x1410]  }
0x1d: {  	v1 =	vld [tilespmem:s16+$0x1440]  }
0x1e: {  	v2 =	vld [tilespmem:s16+$0x40]  }
0x1f: {  	v3 =	vld [tilespmem:s16+$0x1430]  }
0x20: {  	v9 =	vld [tilespmem:s16+$0x20]  }
0x21: {  	v4 =	vld [tilespmem:s16+$0x1410]  }
0x22: {  	v8 =	vld [tilespmem:s16+$0x1420]  }
0x23: {  	v7 =	vld [tilespmem:s16+$0x30]  }
0x24: {  	v1 =	vsub.f32 v6, v1;
	v6 =	vld [tilespmem:s16+$0x10]  }
0x25: {  	v2 =	vsub.f32 v5, v2;
	v9 =	vsub.f32 v10, v9;
	v10 =	vld [tilespmem:s17+$0x10];
	_ =	sdelay $0x1  }
0x26: {  	v8 =	vsub.f32 v11, v8;
	v1 =	vmul.f32 v1, v1;
	v2 =	vmul.f32 v2, v2  }
0x27: {  	v5 =	vld [tilespmem:s16+$0x0];
	v7 =	vsub.f32 v12, v7;
	v3 =	vsub.f32 v13, v3  }
0x28: {  	v11 =	vld [tilespmem:s17+$0x0];
	v8 =	vmul.f32 v8, v8;
	v1 =	vadd.f32 v1, v2;
	v2 =	vmul.f32 v9, v9  }
0x29: {  	v4 =	vsub.f32 v14, v4;
	v7 =	vmul.f32 v7, v7;
	v6 =	vsub.f32 v10, v6  }
0x2a: {  	v3 =	vmul.f32 v3, v3;
	v9 =	vadd.f32 $9.999999710e-10, v1;
	v1 =	vadd.f32 v8, v2  }
0x2b: {  	v4 =	vmul.f32 v4, v4  }
0x2c: {  	v6 =	vmul.f32 v6, v6;
	v2 =	vadd.f32 $9.999999710e-10, v1;
	v1 =	vadd.f32 v3, v7;
	v3 =	vld [tilespmem:s16+$0x1400]  }
0x2d: {  	s31 =	simm.s32 $0x50;
	s15 =	sadd.s32 $0x1, s15;
	v5 =	vsub.f32 v11, v5;
	v8 =	vshra.s32 v9, $0x1;
	v7 =	vld [tilespmem:s17+$0x1400]  }
0x2e: {  	v22 =	vld [tilespmem:s31+$0x1440];
	s18 =	sadd.s32 $0xFFFFFFC0, s15;
	v12 =	vmul.f32 $5.000000000e-01, v9;
	v4 =	vadd.f32 v4, v6;
	v8 =	vsub.s32 $0x5F3759DF, v8  }
0x2f: {  	v57 =	vld [tilespmem:s31+$0x1430];
	s18 =	smin.u32 s15, s18;
	v10 =	vshra.s32 v2, $0x1;
	v11 =	vmul.f32 $5.000000000e-01, v2;
	v1 =	vadd.f32 $9.999999710e-10, v1  }
0x30: {  	v28 =	vld [tilespmem:s31+$0x1420];
	s30 =	smul.u32 $0x50, s18;
	v5 =	vmul.f32 v5, v5;
	v16 =	vmul.f32 v8, v12;
	v10 =	vsub.s32 $0x5F3759DF, v10  }
0x31: {  	v60 =	vld [tilespmem:s31+$0x10];
	v4 =	vadd.f32 $9.999999710e-10, v4;
	v6 =	vmul.f32 v10, v11;
	v15 =	vshra.s32 v1, $0x1  }
0x32: {  	v13 =	vld [tilespmem:s30+$0x1440];
	v18 =	vmul.f32 $5.000000000e-01, v1;
	v3 =	vsub.f32 v7, v3;
	v7 =	vmul.f32 v8, v16  }
0x33: {  	v14 =	vld [tilespmem:s30+$0x40];
	v15 =	vsub.s32 $0x5F3759DF, v15;
	v20 =	vshra.s32 v4, $0x1;
	v21 =	vmul.f32 $5.000000000e-01, v4  }
0x34: {  	v16 =	vld [tilespmem:s31+$0x40];
	v6 =	vmul.f32 v10, v6;
	v20 =	vsub.s32 $0x5F3759DF, v20;
	v23 =	vmul.f32 v15, v18  }
0x35: {  	v17 =	vld [tilespmem:s30+$0x1430];
	v3 =	vmul.f32 v3, v3;
	v25 =	vmul.f32 v20, v21;
	v7 =	vsub.f32 $1.500000000e+00, v7  }
0x36: {  	v24 =	vld [tilespmem:s30+$0x30];
	v6 =	vsub.f32 $1.500000000e+00, v6;
	v23 =	vmul.f32 v15, v23  }
0x37: {  	v26 =	vld [tilespmem:s30+$0x1420];
	v3 =	vadd.f32 v3, v5;
	v5 =	vmul.f32 v20, v25;
	v7 =	vmul.f32 v8, v7  }
0x38: {  	v8 =	vsub.f32 v22, v13;
	v22 =	vld [tilespmem:s31+$0x20];
	v6 =	vmul.f32 v10, v6;
	v23 =	vsub.f32 $1.500000000e+00, v23  }
0x39: {  	v10 =	vld [tilespmem:s31+$0x30];
	v13 =	vsub.f32 v16, v14;
	v16 =	vsub.f32 $1.500000000e+00, v5;
	v12 =	vmul.f32 v7, v12  }
0x3a: {  	v14 =	vld [tilespmem:s30+$0x20];
	v58 =	vmul.f32 v8, v8;
	v8 =	vadd.f32 $9.999999710e-10, v3;
	v11 =	vmul.f32 v6, v11  }
0x3b: {  	v19 =	vld [tilespmem:s30+$0x1410];
	v3 =	vsub.f32 v57, v17;
	v5 =	vmul.f32 v15, v23;
	v15 =	vmul.f32 v13, v13  }
0x3c: {  	v27 =	vld [tilespmem:s30+$0x0];
	v26 =	vsub.f32 v28, v26;
	v12 =	vmul.f32 v12, v7;
	v13 =	vmul.f32 $5.000000000e-01, v8  }
0x3d: {  	v17 =	vld [tilespmem:s31+$0x1410];
	v16 =	vmul.f32 v20, v16;
	v59 =	vshra.s32 v8, $0x1;
	v61 =	vmul.f32 v3, v3  }
0x3e: {  	v23 =	vld [tilespmem:s30+$0x10];
	v11 =	vmul.f32 v11, v6;
	v15 =	vadd.f32 v58, v15;
	v18 =	vmul.f32 v5, v18  }
0x3f: {  	v20 =	vld [tilespmem:s31+$0x0];
	v10 =	vsub.f32 v10, v24;
	v14 =	vsub.f32 v22, v14;
	v22 =	vsub.s32 $0x5F3759DF, v59  }
0x40: {  	v21 =	vmul.f32 v16, v21;
	v12 =	vsub.f32 $1.500000000e+00, v12;
	v11 =	vsub.f32 $1.500000000e+00, v11  }
0x41: {  	v3 =	vadd.f32 $9.999999710e-10, v15;
	v10 =	vmul.f32 v10, v10;
	v62 =	vmul.f32 v14, v14  }
0x42: {  	v21 =	vmul.f32 v21, v16;
	v14 =	vsub.f32 v17, v19;
	v17 =	vmul.f32 v22, v13  }
0x43: {  	v7 =	vmul.f32 v12, v7;
	v12 =	vsub.f32 v60, v23;
	v15 =	vshra.s32 v3, $0x1  }
0x44: {  	v19 =	vsub.f32 v20, v27;
	v20 =	vmul.f32 v26, v26;
	v23 =	vmul.f32 v14, v14  }
0x45: {  	v17 =	vmul.f32 v22, v17;
	v10 =	vadd.f32 v61, v10;
	v12 =	vmul.f32 v12, v12  }
0x46: {  	v14 =	vmul.f32 v19, v19;
	v19 =	vsub.f32 $1.500000000e+00, v21;
	v63 =	vadd.f32 v20, v62  }
0x47: {  	v9 =	vmul.f32 v7, v9;
	v17 =	vsub.f32 $1.500000000e+00, v17;
	v10 =	vadd.f32 $9.999999710e-10, v10  }
0x48: {  	v21 =	vld [tilespmem:s30+$0x1400];
	v20 =	vadd.f32 v23, v12;
	v19 =	vmul.f32 v19, v16;
	v12 =	vadd.f32 $9.999999710e-10, v63  }
0x49: {  	s16 =	simm.s32 $0x280;
	s17 =	sadd.s32 $0x1, s15;
	v16 =	vmul.f32 v22, v17;
	v22 =	vld [tilespmem:s31+$0x1400];
	v17 =	vshra.s32 v10, $0x1;
	v7 =	vmul.f32 $5.000000000e-01, v10  }
.LBB2_3:
0x4a: {  	s18 =	sadd.s32 $0xFFFFFFC0, s17  }
0x4b: {  	p0 =	sne.s32 s16, $0x4EC0;
	v15 =	vsub.s32 $0x5F3759DF, v15;
	v23 =	vmul.f32 $5.000000000e-01, v3;
	v13 =	vmul.f32 v16, v13;
	s19 =	smov.u32 s16;
	s16 =	sadd.s32 $0x140, s16  }
0x4c: {  	v18 =	vmul.f32 v18, v5;
	s18 =	smin.u32 s17, s18;
	v24 =	vshra.s32 v12, $0x1;
	v25 =	vmul.f32 $5.000000000e-01, v12  }
0x4d: {  	s18 =	smul.u32 $0x50, s18;
	v24 =	vsub.s32 $0x5F3759DF, v24;
	v26 =	vmul.f32 v15, v23;
	v13 =	vmul.f32 v13, v16  }
0x4e: {  	v19 =	vmul.f32 v19, v4;
	v21 =	vsub.f32 v22, v21;
	v22 =	vmul.f32 v24, v25  }
0x4f: {  	v4 =	vadd.f32 $9.999999710e-10, v20;
	s19 =	sshra.s32 s19, $0x2;
	v27 =	vld [tilespmem:s18+$0x1440];
	v20 =	vmul.f32 v15, v26;
	v13 =	vsub.f32 $1.500000000e+00, v13  }
0x50: {  	v17 =	vsub.s32 $0x5F3759DF, v17;
	v6 =	vmul.f32 v11, v6;
	v26 =	vld [tilespmem:s18+$0x40];
	v22 =	vmul.f32 v24, v22  }
0x51: {  	v28 =	vshra.s32 v4, $0x1;
	v11 =	vld [tilespmem:s18+$0x1430];
	v20 =	vsub.f32 $1.500000000e+00, v20;
	v13 =	vmul.f32 v13, v16  }
0x52: {  	v29 =	vmul.f32 $5.000000000e-01, v4;
	v30 =	vmul.f32 v6, v2;
	v2 =	vmovc v12;
	v28 =	vsub.s32 $0x5F3759DF, v28;
	v16 =	vld [tilespmem:s18+$0x1410]  }
0x53: {  	v21 =	vmul.f32 v21, v21;
	v6 =	vsub.f32 $1.500000000e+00, v22;
	v22 =	vmul.f32 v17, v7;
	v12 =	vld [tilespmem:s19+$0x40]  }
0x54: {  	v32 =	vmul.f32 v28, v29;
	v8 =	vmul.f32 v13, v8;
	v13 =	vsub.f32 $1.500000000e+00, v18;
	v31 =	vld [tilespmem:s19+$0x1440]  }
0x55: {  	v6 =	vmul.f32 v24, v6;
	v22 =	vmul.f32 v17, v22;
	v18 =	vld [tilespmem:s18+$0x30]  }
0x56: {  	v14 =	vadd.f32 v21, v14;
	v21 =	vmul.f32 v28, v32;
	v0 =	vadd.f32 v8, v0;
	v24 =	vld [tilespmem:s19+$0x30]  }
0x57: {  	v5 =	vmul.f32 v13, v5;
	v8 =	vmul.f32 v6, v25;
	v22 =	vsub.f32 $1.500000000e+00, v22;
	v32 =	vld [tilespmem:s18+$0x1420]  }
0x58: {  	v20 =	vmul.f32 v15, v20;
	v0 =	vadd.f32 v19, v0;
	v13 =	vld [tilespmem:s19+$0x1430];
	v12 =	vsub.f32 v12, v26  }
0x59: {  	v25 =	vmul.f32 v8, v6;
	v26 =	vmul.f32 v5, v1;
	v1 =	vmovc v10;
	v19 =	vld [tilespmem:s18+$0x0];
	v15 =	vsub.f32 v31, v27  }
0x5a: {  	v21 =	vsub.f32 $1.500000000e+00, v21;
	v23 =	vmul.f32 v20, v23;
	v0 =	vadd.f32 v30, v0;
	v10 =	vld [tilespmem:s18+$0x20]  }
0x5b: {  	v5 =	vmul.f32 v17, v22;
	v27 =	vld [tilespmem:s19+$0x20];
	v18 =	vsub.f32 v24, v18;
	v15 =	vmul.f32 v15, v15  }
0x5c: {  	v8 =	vadd.f32 $9.999999710e-10, v14;
	v12 =	vmul.f32 v12, v12;
	v0 =	vadd.f32 v26, v0;
	v17 =	vld [tilespmem:s18+$0x10]  }
0x5d: {  	v23 =	vmul.f32 v23, v20;
	v14 =	vld [tilespmem:s19+$0x1420];
	v22 =	vsub.f32 v13, v11;
	v18 =	vmul.f32 v18, v18  }
0x5e: {  	v26 =	vmul.f32 v28, v21;
	v13 =	vmul.f32 $5.000000000e-01, v8;
	v11 =	vsub.f32 $1.500000000e+00, v25;
	v24 =	vld [tilespmem:s19+$0x1410]  }
0x5f: {  	v12 =	vadd.f32 v15, v12;
	v15 =	vshra.s32 v8, $0x1;
	v0 =	vadd.f32 v9, v0;
	v21 =	vld [tilespmem:s19+$0x0]  }
0x60: {  	v25 =	vsub.s32 $0x5F3759DF, v15;
	v15 =	vmul.f32 v26, v29;
	v9 =	vld [tilespmem:s19+$0x10];
	v10 =	vsub.f32 v27, v10  }
0x61: {  	v23 =	vsub.f32 $1.500000000e+00, v23;
	v22 =	vmul.f32 v22, v22;
	v12 =	vadd.f32 $9.999999710e-10, v12  }
0x62: {  	v27 =	vmul.f32 v15, v26;
	v14 =	vsub.f32 v14, v32;
	v10 =	vmul.f32 v10, v10  }
0x63: {  	v15 =	vshra.s32 v12, $0x1;
	v16 =	vsub.f32 v24, v16;
	v24 =	vmul.f32 v25, v13  }
0x64: {  	v23 =	vmul.f32 v23, v20;
	v19 =	vsub.f32 v21, v19;
	v21 =	vmul.f32 v14, v14  }
0x65: {  	v9 =	vsub.f32 v9, v17;
	v16 =	vmul.f32 v16, v16;
	v17 =	vmul.f32 v25, v24  }
.Ltmp0:
0x66: {  	v18 =	vadd.f32 v22, v18;
	v14 =	vmul.f32 v19, v19;
	v19 =	vsub.f32 $1.500000000e+00, v27;
	(pc) =	sbr.rel @p0 .LBB2_3-.Ltmp0, $4  }
0x67: {  	v24 =	vadd.f32 v21, v10;
	v9 =	vmul.f32 v9, v9;
	v17 =	vsub.f32 $1.500000000e+00, v17  }
0x68: {  	v10 =	vadd.f32 $9.999999710e-10, v18;
	v18 =	vmul.f32 v5, v7;
	v21 =	vld [tilespmem:s18+$0x1400];
	v19 =	vmul.f32 v19, v26  }
0x69: {  	v22 =	vld [tilespmem:s19+$0x1400];
	v20 =	vadd.f32 v16, v9;
	v16 =	vmul.f32 v25, v17;
	v9 =	vmul.f32 v23, v3;
	v3 =	vmovc v12  }
0x6a: {  	s17 =	sadd.s32 $0x1, s17;
	v7 =	vmul.f32 $5.000000000e-01, v10;
	v12 =	vadd.f32 $9.999999710e-10, v24;
	v17 =	vshra.s32 v10, $0x1  }
0x6b: {  	_ =	sdelay $0x2  }
0x6c: {  	v21 =	vsub.f32 v22, v21;
	_ =	sdelay $0x1  }
0x6d: {  	v13 =	vmul.f32 v16, v13;
	v21 =	vmul.f32 v21, v21  }
0x6e: {  	v24 =	vmul.f32 $5.000000000e-01, v3;
	v4 =	vmul.f32 v19, v4  }
0x6f: {  	v44 =	vadd.f32 $9.999999710e-10, v20;
	v6 =	vmul.f32 v11, v6;
	v14 =	vadd.f32 v21, v14  }
0x70: {  	v18 =	vmul.f32 v18, v5;
	v17 =	vsub.s32 $0x5F3759DF, v17;
	v42 =	vshra.s32 v12, $0x1  }
0x71: {  	v23 =	vmul.f32 $5.000000000e-01, v12;
	v52 =	vmul.f32 v17, v7;
	v14 =	vadd.f32 $9.999999710e-10, v14  }
0x72: {  	v13 =	vmul.f32 v13, v16;
	v25 =	vshra.s32 v44, $0x1;
	v26 =	vmul.f32 $5.000000000e-01, v44  }
0x73: {  	v2 =	vmul.f32 v6, v2;
	v46 =	vmul.f32 $5.000000000e-01, v14;
	v47 =	vshra.s32 v14, $0x1  }
0x74: {  	v18 =	vsub.f32 $1.500000000e+00, v18;
	v22 =	vsub.s32 $0x5F3759DF, v42;
	v21 =	vsub.s32 $0x5F3759DF, v47  }
0x75: {  	v48 =	vsub.s32 $0x5F3759DF, v25;
	v43 =	vmul.f32 v22, v23;
	v49 =	vmul.f32 v21, v46  }
0x76: {  	v13 =	vsub.f32 $1.500000000e+00, v13;
	v50 =	vmul.f32 v48, v26;
	v54 =	vmul.f32 v18, v5  }
0x77: {  	v45 =	vmul.f32 v22, v43;
	v25 =	vmul.f32 v21, v49  }
0x78: {  	v15 =	vsub.s32 $0x5F3759DF, v15;
	v13 =	vmul.f32 v13, v16;
	v6 =	vmul.f32 v48, v50  }
0x79: {  	v51 =	vmul.f32 v15, v24;
	v20 =	vsub.f32 $1.500000000e+00, v45;
	v25 =	vsub.f32 $1.500000000e+00, v25  }
0x7a: {  	v1 =	vmul.f32 v54, v1;
	v8 =	vmul.f32 v13, v8;
	v6 =	vsub.f32 $1.500000000e+00, v6  }
0x7b: {  	v20 =	vmul.f32 v22, v20;
	v21 =	vmul.f32 v21, v25  }
0x7c: {  	v22 =	vmul.f32 v17, v52;
	v6 =	vmul.f32 v48, v6;
	v0 =	vadd.f32 v8, v0  }
0x7d: {  	v13 =	vmul.f32 v15, v51;
	v11 =	vmul.f32 v21, v46  }
0x7e: {  	v16 =	vmul.f32 v6, v26;
	v55 =	vsub.f32 $1.500000000e+00, v22;
	v0 =	vadd.f32 v4, v0  }
0x7f: {  	v53 =	vmul.f32 v20, v23;
	v56 =	vmul.f32 v11, v21  }
0x80: {  	v58 =	vmul.f32 v16, v6;
	v0 =	vadd.f32 v2, v0;
	v2 =	vmul.f32 v17, v55  }
0x81: {  	v57 =	vsub.f32 $1.500000000e+00, v13;
	v8 =	vmul.f32 v53, v20;
	v4 =	vsub.f32 $1.500000000e+00, v56  }
0x82: {  	v5 =	vsub.f32 $1.500000000e+00, v58;
	v0 =	vadd.f32 v1, v0;
	v1 =	vmul.f32 v2, v7  }
0x83: {  	v11 =	vmul.f32 v15, v57;
	v4 =	vmul.f32 v4, v21  }
0x84: {  	v8 =	vsub.f32 $1.500000000e+00, v8;
	v5 =	vmul.f32 v5, v6;
	v1 =	vmul.f32 v1, v2  }
0x85: {  	v0 =	vadd.f32 v9, v0;
	v59 =	vmul.f32 v11, v24;
	v4 =	vmul.f32 v4, v14  }
0x86: {  	v61 =	vmul.f32 v8, v20;
	v5 =	vmul.f32 v5, v44  }
0x87: {  	v1 =	vsub.f32 $1.500000000e+00, v1;
	v60 =	vmul.f32 v59, v11;
	v0 =	vadd.f32 v4, v0  }
0x88: {  	v63 =	vmul.f32 v61, v12  }
0x89: {  	v1 =	vmul.f32 v1, v2;
	v62 =	vsub.f32 $1.500000000e+00, v60;
	v0 =	vadd.f32 v5, v0  }
0x8a: {  	p0 =	sne.s32 s15, $0x20  }
.Ltmp1:
0x8b: {  	v1 =	vmul.f32 v1, v10;
	v2 =	vmul.f32 v62, v11;
	v0 =	vadd.f32 v63, v0;
	(pc) =	sbr.rel @p0 .LBB2_2-.Ltmp1, $3  }
0x8c: {  	_ = 	snop  }
0x8d: {  	v2 =	vmul.f32 v2, v3;
	v0 =	vadd.f32 v1, v0;
	_ =	sdelay $0x1  }
0x8e: {  	v0 =	vadd.f32 v2, v0  }
0x8f: {  	s15 =	simm.s32 $0x20  }
0x90: {  	v1 =	vld [tilespmem:s15+$0xFFFFFFE0]  }
0x91: {  	s16 =	simm.s32 $0x1420;
	v2 =	vld [tilespmem:s15+$0x20]  }
0x92: {  	v3 =	vld [tilespmem:s16+$0x20]  }
0x93: {  	v4 =	vld [tilespmem:s16+$0x10]  }
0x94: {  	v5 =	vld [tilespmem:s15+$0xFFFFFFF0]  }
0x95: {  	p0 =	por $0x1, $0x1;
	s17 =	simm.s32 $0x20;
	v6 =	vld [tilespmem:s16+$0xFFFFFFF0]  }
0x96: {  	s17 =	simm.s32 @!p0 $0xFFFFFFE0;
	v7 =	vld [tilespmem:s15+$0x0]  }
0x97: {  	v10 =	vld [tilespmem:s16+$0x0];
	s17 =	sadd.s32 $0x0, s17  }
0x98: {  	s31 =	simm.s32 $0x70;
	v11 =	vld [tilespmem:s15+$0x10];
	s17 =	smul.u32 $0x50, s17  }
0x99: {  	v23 =	vld [tilespmem:s31+$0x10]  }
0x9a: {  	v8 =	vld [tilespmem:s17+$0x1440]  }
0x9b: {  	v9 =	vld [tilespmem:s17+$0x40]  }
0x9c: {  	v12 =	vld [tilespmem:s17+$0x30]  }
0x9d: {  	v13 =	vld [tilespmem:s17+$0x1430]  }
0x9e: {  	v14 =	vld [tilespmem:s17+$0x1420]  }
0x9f: {  	v15 =	vld [tilespmem:s17+$0x20]  }
0xa0: {  	v16 =	vld [tilespmem:s17+$0x1410]  }
0xa1: {  	v17 =	vld [tilespmem:s17+$0x10]  }
0xa2: {  	v18 =	vld [tilespmem:s17+$0x0];
	v3 =	vsub.f32 v3, v8  }
0xa3: {  	v8 =	vld [tilespmem:s16+$0xFFFFFFE0];
	v2 =	vsub.f32 v2, v9;
	v11 =	vsub.f32 v11, v12  }
0xa4: {  	s15 =	simm.s32 $0x1470;
	v9 =	vld [tilespmem:s17+$0x1400];
	v4 =	vsub.f32 v4, v13;
	v10 =	vsub.f32 v10, v14  }
0xa5: {  	v21 =	vld [tilespmem:s15+$0x0];
	v7 =	vsub.f32 v7, v15;
	v6 =	vsub.f32 v6, v16  }
0xa6: {  	p0 =	por $0x1, $0x1;
	v5 =	vsub.f32 v5, v17;
	v13 =	vld [tilespmem:s31+$0x20];
	s17 =	simm.s32 $0x20;
	v4 =	vmul.f32 v4, v4;
	v11 =	vmul.f32 v11, v11  }
0xa7: {  	v1 =	vsub.f32 v1, v18;
	v15 =	vld [tilespmem:s15+$0x20];
	s17 =	simm.s32 @!p0 $0xFFFFFFE0;
	v3 =	vmul.f32 v3, v3;
	v2 =	vmul.f32 v2, v2  }
0xa8: {  	v16 =	vld [tilespmem:s15+$0x10];
	v5 =	vmul.f32 v5, v5;
	v6 =	vmul.f32 v6, v6;
	s17 =	sadd.s32 $0x1, s17;
	v4 =	vadd.f32 v4, v11  }
0xa9: {  	v18 =	vld [tilespmem:s31+$0x0];
	v7 =	vmul.f32 v7, v7;
	s17 =	smul.u32 $0x50, s17;
	v3 =	vadd.f32 v3, v2;
	v8 =	vsub.f32 v8, v9  }
0xaa: {  	v1 =	vmul.f32 v1, v1;
	v5 =	vadd.f32 v6, v5;
	v11 =	vld [tilespmem:s15+$0xFFFFFFF0];
	v9 =	vmul.f32 v10, v10  }
0xab: {  	v17 =	vld [tilespmem:s17+$0x1440];
	v2 =	vadd.f32 $9.999999710e-10, v4;
	v4 =	vadd.f32 $9.999999710e-10, v3;
	v6 =	vmul.f32 v8, v8  }
0xac: {  	v19 =	vld [tilespmem:s17+$0x40];
	v7 =	vadd.f32 v9, v7  }
0xad: {  	v26 =	vld [tilespmem:s17+$0x30];
	v3 =	vshra.s32 v2, $0x1;
	v20 =	vmul.f32 $5.000000000e-01, v4;
	v9 =	vadd.f32 v6, v1  }
0xae: {  	v28 =	vld [tilespmem:s17+$0x1430];
	v6 =	vmul.f32 $5.000000000e-01, v2;
	v8 =	vsub.s32 $0x5F3759DF, v3;
	v3 =	vshra.s32 v4, $0x1  }
0xaf: {  	v30 =	vld [tilespmem:s17+$0x1420];
	v1 =	vadd.f32 $9.999999710e-10, v5;
	v22 =	vsub.s32 $0x5F3759DF, v3;
	v3 =	vadd.f32 $9.999999710e-10, v7  }
0xb0: {  	v33 =	vld [tilespmem:s17+$0x20];
	v15 =	vsub.f32 v15, v17;
	v5 =	vadd.f32 $9.999999710e-10, v9;
	v9 =	vmul.f32 v8, v6  }
0xb1: {  	v35 =	vld [tilespmem:s17+$0x1410];
	v24 =	vmul.f32 $5.000000000e-01, v1;
	v14 =	vshra.s32 v1, $0x1;
	v25 =	vmul.f32 v22, v20  }
0xb2: {  	v13 =	vsub.f32 v13, v19;
	v27 =	vsub.s32 $0x5F3759DF, v14;
	v7 =	vmul.f32 v8, v9  }
0xb3: {  	v23 =	vsub.f32 v23, v26;
	v9 =	vmul.f32 v27, v24;
	v25 =	vmul.f32 v22, v25  }
0xb4: {  	v12 =	vld [tilespmem:s31+$0xFFFFFFE0];
	v16 =	vsub.f32 v16, v28;
	v21 =	vsub.f32 v21, v30  }
0xb5: {  	v10 =	vld [tilespmem:s31+$0xFFFFFFF0];
	v18 =	vsub.f32 v18, v33;
	v25 =	vsub.f32 $1.500000000e+00, v25;
	v34 =	vmul.f32 v27, v9  }
0xb6: {  	v19 =	vld [tilespmem:s17+$0x10];
	v11 =	vsub.f32 v11, v35;
	v63 =	vmul.f32 v15, v15;
	v13 =	vmul.f32 v13, v13  }
0xb7: {  	v28 =	vld [tilespmem:s15+$0xFFFFFFE0];
	v16 =	vmul.f32 v16, v16;
	v17 =	vmul.f32 v22, v25;
	v22 =	vsub.f32 $1.500000000e+00, v34  }
0xb8: {  	v32 =	vshra.s32 v3, $0x1;
	v23 =	vmul.f32 v23, v23;
	v18 =	vmul.f32 v18, v18;
	v25 =	vld [tilespmem:s17+$0x0]  }
0xb9: {  	v11 =	vmul.f32 v11, v11;
	v29 =	vshra.s32 v5, $0x1;
	v15 =	vmul.f32 v27, v22;
	v22 =	vld [tilespmem:s17+$0x1400]  }
0xba: {  	v21 =	vmul.f32 v21, v21;
	v31 =	vmul.f32 $5.000000000e-01, v5;
	v29 =	vsub.s32 $0x5F3759DF, v29  }
0xbb: {  	v16 =	vadd.f32 v16, v23;
	v14 =	vsub.f32 $1.500000000e+00, v7;
	v7 =	vmul.f32 $5.000000000e-01, v3  }
0xbc: {  	v9 =	vsub.s32 $0x5F3759DF, v32;
	v10 =	vsub.f32 v10, v19;
	v19 =	vmul.f32 v29, v31  }
0xbd: {  	v18 =	vadd.f32 v21, v18;
	v26 =	vmul.f32 v9, v7;
	v20 =	vmul.f32 v17, v20  }
0xbe: {  	v10 =	vmul.f32 v10, v10;
	v12 =	vsub.f32 v12, v25;
	v23 =	vsub.f32 v28, v22  }
0xbf: {  	v20 =	vmul.f32 v20, v17;
	v25 =	vadd.f32 v63, v13;
	v13 =	vmul.f32 v29, v19  }
0xc0: {  	v10 =	vadd.f32 v11, v10;
	v11 =	vmul.f32 v12, v12;
	v12 =	vmul.f32 v23, v23  }
0xc1: {  	v27 =	vsub.f32 $1.500000000e+00, v20;
	v19 =	vsub.f32 $1.500000000e+00, v13  }
0xc2: {  	v22 =	vmul.f32 v9, v26;
	v23 =	vmul.f32 v15, v24;
	v11 =	vadd.f32 v12, v11  }
0xc3: {  	v13 =	vadd.f32 $9.999999710e-10, v10;
	v21 =	vmul.f32 v29, v19;
	v12 =	vadd.f32 $9.999999710e-10, v16  }
0xc4: {  	v10 =	vadd.f32 $9.999999710e-10, v18;
	v23 =	vmul.f32 v23, v15;
	v16 =	vadd.f32 $9.999999710e-10, v11  }
0xc5: {  	v26 =	vmul.f32 v21, v31;
	v18 =	vshra.s32 v12, $0x1;
	v20 =	vmul.f32 $5.000000000e-01, v12  }
0xc6: {  	s18 =	simm.s32 $0x2;
	s16 =	simm.s32 $0xC0;
	v24 =	vsub.s32 $0x5F3759DF, v18;
	v19 =	vshra.s32 v16, $0x1;
	v11 =	vmul.f32 $5.000000000e-01, v16  }
.LBB2_6:
0xc7: {  	p0 =	slt.u32 s18, $0x20;
	s15 =	sadd.s32 $0x50, s15  }
0xc8: {  	v28 =	vld [tilespmem:s16+$0xFFFFFFE0];
	v18 =	vmul.f32 $5.000000000e-01, v13;
	v25 =	vadd.f32 $9.999999710e-10, v25;
	v29 =	vmul.f32 v8, v14;
	v8 =	vmovc v24;
	s19 =	smov.u32 s18;
	s17 =	sadd.s32 $0x1, s18;
	s20 =	simm.s32 $0x20  }
0xc9: {  	v14 =	vshra.s32 v13, $0x1;
	v17 =	vmul.f32 v27, v17;
	s20 =	simm.s32 @!p0 $0xFFFFFFE0;
	v24 =	vld [tilespmem:s16+$0x20];
	p0 =	sne.s32 s18, $0x3F;
	v30 =	vmul.f32 v8, v20  }
0xca: {  	v26 =	vmul.f32 v26, v21;
	s18 =	sadd.s32 s19, s20;
	v27 =	vld [tilespmem:s15+$0x20];
	v31 =	vshra.s32 v25, $0x1;
	v32 =	vmul.f32 v29, v6;
	v6 =	vmovc v20  }
0xcb: {  	v33 =	vshra.s32 v10, $0x1;
	v22 =	vsub.f32 $1.500000000e+00, v22;
	s18 =	smul.u32 $0x50, s18;
	v20 =	vld [tilespmem:s15+$0x10];
	v30 =	vmul.f32 v8, v30  }
0xcc: {  	v35 =	vsub.s32 $0x5F3759DF, v14;
	v31 =	vsub.s32 $0x5F3759DF, v31;
	v34 =	vld [tilespmem:s16+$0xFFFFFFF0];
	v32 =	vmul.f32 v32, v29  }
0xcd: {  	v37 =	vmul.f32 v35, v18;
	v36 =	vld [tilespmem:s15+$0xFFFFFFF0];
	v14 =	vsub.f32 $1.500000000e+00, v30;
	v30 =	vmul.f32 $5.000000000e-01, v25  }
0xce: {  	v39 =	vmul.f32 $5.000000000e-01, v10;
	v26 =	vsub.f32 $1.500000000e+00, v26;
	v38 =	vld [tilespmem:s16+$0x0];
	v32 =	vsub.f32 $1.500000000e+00, v32  }
0xcf: {  	v23 =	vsub.f32 $1.500000000e+00, v23;
	v22 =	vmul.f32 v9, v22;
	v40 =	vld [tilespmem:s18+$0x1440];
	v41 =	vmul.f32 v31, v30  }
0xd0: {  	v9 =	vsub.s32 $0x5F3759DF, v33;
	v21 =	vmul.f32 v26, v21;
	v42 =	vld [tilespmem:s18+$0x40];
	v26 =	vmul.f32 v32, v29  }
0xd1: {  	v15 =	vmul.f32 v23, v15;
	v29 =	vld [tilespmem:s15+$0x0];
	v32 =	vmul.f32 v31, v41  }
0xd2: {  	v33 =	vmul.f32 v9, v39;
	v41 =	vmul.f32 v22, v7;
	v7 =	vmov v39;
	v23 =	vld [tilespmem:s16+$0x10]  }
0xd3: {  	v43 =	vmul.f32 v17, v4;
	v4 =	vmovc v25;
	v21 =	vmul.f32 v21, v5;
	v5 =	vmovc v16;
	v39 =	vld [tilespmem:s18+$0x30];
	v32 =	vsub.f32 $1.500000000e+00, v32  }
0xd4: {  	v26 =	vmul.f32 v26, v2;
	v2 =	vmovc v12;
	v16 =	vld [tilespmem:s18+$0x1430];
	v25 =	vsub.f32 v27, v40;
	v27 =	vmul.f32 v35, v37  }
0xd5: {  	v12 =	vld [tilespmem:s18+$0x1420];
	v24 =	vsub.f32 v24, v42;
	v17 =	vmul.f32 v31, v32;
	v31 =	vmul.f32 $5.000000000e-01, v43  }
0xd6: {  	v19 =	vsub.s32 $0x5F3759DF, v19;
	v37 =	vmul.f32 v41, v22;
	v32 =	vld [tilespmem:s18+$0x20];
	v25 =	vmul.f32 v25, v25  }
0xd7: {  	v41 =	vmul.f32 v15, v1;
	v1 =	vmovc v13;
	v27 =	vsub.f32 $1.500000000e+00, v27;
	v40 =	vld [tilespmem:s18+$0x1410];
	v24 =	vmul.f32 v24, v24  }
0xd8: {  	v37 =	vsub.f32 $1.500000000e+00, v37;
	v30 =	vmul.f32 v17, v30;
	v13 =	vld [tilespmem:s18+$0x10];
	v23 =	vsub.f32 v23, v39  }
0xd9: {  	v15 =	vmul.f32 v35, v27;
	v39 =	vld [tilespmem:s18+$0x0];
	v16 =	vsub.f32 v20, v16;
	v20 =	vmul.f32 $5.000000000e-01, v21  }
0xda: {  	v22 =	vmul.f32 v37, v22;
	v21 =	vmul.f32 $5.000000000e-01, v41;
	v12 =	vsub.f32 v29, v12  }
0xdb: {  	v27 =	vld [tilespmem:s15+$0xFFFFFFE0];
	v29 =	vsub.f32 v38, v32;
	v16 =	vmul.f32 v16, v16;
	v0 =	vadd.f32 v20, v0  }
0xdc: {  	v23 =	vmul.f32 v23, v23;
	v22 =	vmul.f32 v22, v3;
	v3 =	vmovc v10;
	v20 =	vld [tilespmem:s18+$0x1400];
	v32 =	vsub.f32 v36, v40  }
0xdd: {  	v10 =	vsub.f32 v34, v13;
	v13 =	vmul.f32 v29, v29;
	v0 =	vadd.f32 v21, v0  }
0xde: {  	v22 =	vmul.f32 $5.000000000e-01, v22;
	v21 =	vsub.f32 v28, v39;
	v28 =	vmul.f32 v19, v11  }
0xdf: {  	v16 =	vadd.f32 v16, v23;
	v23 =	vmul.f32 $5.000000000e-01, v26;
	v10 =	vmul.f32 v10, v10  }
0xe0: {  	v12 =	vmul.f32 v12, v12;
	v26 =	vmul.f32 v32, v32;
	v0 =	vadd.f32 v22, v0  }
0xe1: {  	v25 =	vadd.f32 v25, v24;
	v24 =	vmul.f32 v19, v28;
	v20 =	vsub.f32 v27, v20  }
0xe2: {  	v22 =	vmul.f32 v9, v33;
	v10 =	vadd.f32 v26, v10;
	v0 =	vadd.f32 v23, v0  }
0xe3: {  	v21 =	vmul.f32 v21, v21;
	v23 =	vsub.f32 $1.500000000e+00, v24;
	v20 =	vmul.f32 v20, v20  }
0xe4: {  	v18 =	vmul.f32 v15, v18;
	v24 =	vadd.f32 v12, v13;
	v0 =	vadd.f32 v31, v0  }
.Ltmp2:
0xe5: {  	v26 =	vmul.f32 v30, v17;
	v12 =	vadd.f32 $9.999999710e-10, v16;
	v20 =	vadd.f32 v20, v21;
	(pc) =	sbr.rel @p0 .LBB2_6-.Ltmp2, $4  }
0xe6: {  	v13 =	vadd.f32 $9.999999710e-10, v10;
	v10 =	vadd.f32 $9.999999710e-10, v24;
	v21 =	vmul.f32 v19, v23  }
0xe7: {  	v27 =	vsub.f32 $1.500000000e+00, v26;
	v23 =	vmul.f32 v18, v15;
	v16 =	vadd.f32 $9.999999710e-10, v20  }
0xe8: {  	v18 =	vshra.s32 v12, $0x1;
	v20 =	vmul.f32 $5.000000000e-01, v12;
	v26 =	vmul.f32 v21, v11  }
0xe9: {  	s16 =	sadd.s32 $0x50, s16;
	s18 =	smov.u32 s17;
	v24 =	vsub.s32 $0x5F3759DF, v18;
	v19 =	vshra.s32 v16, $0x1;
	v11 =	vmul.f32 $5.000000000e-01, v16  }
0xea: {  	v8 =	vmul.f32 v8, v14;
	v37 =	vmul.f32 $5.000000000e-01, v13;
	v18 =	vadd.f32 $9.999999710e-10, v25  }
0xeb: {  	v38 =	vmul.f32 v24, v20;
	v28 =	vshra.s32 v13, $0x1;
	v17 =	vmul.f32 v27, v17  }
0xec: {  	v26 =	vmul.f32 v26, v21;
	v22 =	vsub.f32 $1.500000000e+00, v22;
	v31 =	vmul.f32 $5.000000000e-01, v10  }
0xed: {  	v23 =	vsub.f32 $1.500000000e+00, v23;
	v40 =	vshra.s32 v10, $0x1;
	v19 =	vsub.s32 $0x5F3759DF, v19  }
0xee: {  	v28 =	vsub.s32 $0x5F3759DF, v28;
	v45 =	vmul.f32 v19, v11;
	v6 =	vmul.f32 v8, v6  }
0xef: {  	v42 =	vsub.s32 $0x5F3759DF, v40;
	v25 =	vmul.f32 v24, v38;
	v29 =	vmul.f32 v28, v37  }
0xf0: {  	v39 =	vshra.s32 v18, $0x1;
	v30 =	vmul.f32 $5.000000000e-01, v18;
	v9 =	vmul.f32 v9, v22  }
0xf1: {  	v26 =	vsub.f32 $1.500000000e+00, v26;
	v15 =	vmul.f32 v23, v15;
	v44 =	vmul.f32 v42, v31  }
0xf2: {  	v4 =	vmul.f32 v17, v4;
	v27 =	vsub.s32 $0x5F3759DF, v39;
	v47 =	vmul.f32 v19, v45  }
0xf3: {  	v6 =	vmul.f32 v6, v8;
	v32 =	vmul.f32 v27, v30  }
0xf4: {  	v41 =	vmul.f32 v26, v21;
	v7 =	vmul.f32 v9, v7  }
0xf5: {  	v46 =	vmul.f32 v28, v29;
	v4 =	vmul.f32 $5.000000000e-01, v4;
	v6 =	vsub.f32 $1.500000000e+00, v6  }
0xf6: {  	v1 =	vmul.f32 v15, v1;
	v50 =	vmul.f32 v42, v44  }
0xf7: {  	v43 =	vmul.f32 v27, v32;
	v6 =	vmul.f32 v6, v8  }
0xf8: {  	v51 =	vsub.f32 $1.500000000e+00, v25;
	v5 =	vmul.f32 v41, v5;
	v7 =	vmul.f32 v7, v9  }
0xf9: {  	v17 =	vsub.f32 $1.500000000e+00, v46;
	v2 =	vmul.f32 v6, v2;
	v6 =	vsub.f32 $1.500000000e+00, v47  }
0xfa: {  	v1 =	vmul.f32 $5.000000000e-01, v1;
	v53 =	vsub.f32 $1.500000000e+00, v50;
	v56 =	vmul.f32 v24, v51  }
0xfb: {  	v7 =	vsub.f32 $1.500000000e+00, v7;
	v17 =	vmul.f32 v28, v17;
	v6 =	vmul.f32 v19, v6  }
0xfc: {  	v5 =	vmul.f32 $5.000000000e-01, v5;
	v8 =	vmul.f32 v42, v53  }
0xfd: {  	v22 =	vsub.f32 $1.500000000e+00, v43;
	v7 =	vmul.f32 v7, v9;
	v52 =	vmul.f32 v6, v11  }
0xfe: {  	v58 =	vmul.f32 v56, v20;
	v0 =	vadd.f32 v5, v0;
	v54 =	vmul.f32 v17, v37  }
0xff: {  	v3 =	vmul.f32 v7, v3;
	v55 =	vmul.f32 v52, v6  }
0x100: {  	v48 =	vmul.f32 v27, v22;
	v0 =	vadd.f32 v1, v0;
	v1 =	vmul.f32 v54, v17  }
0x101: {  	v57 =	vmul.f32 v8, v31;
	v3 =	vmul.f32 $5.000000000e-01, v3;
	v7 =	vsub.f32 $1.500000000e+00, v55  }
0x102: {  	v60 =	vmul.f32 v58, v56;
	v2 =	vmul.f32 $5.000000000e-01, v2;
	v1 =	vsub.f32 $1.500000000e+00, v1  }
0x103: {  	v59 =	vmul.f32 v57, v8;
	v0 =	vadd.f32 v3, v0;
	v3 =	vmul.f32 v7, v6  }
0x104: {  	v49 =	vmul.f32 v48, v30;
	v1 =	vmul.f32 v1, v17  }
0x105: {  	v0 =	vadd.f32 v2, v0;
	v2 =	vmul.f32 v3, v16;
	v3 =	vsub.f32 $1.500000000e+00, v59  }
0x106: {  	v61 =	vmul.f32 v49, v48;
	v1 =	vmul.f32 v1, v13;
	v7 =	vsub.f32 $1.500000000e+00, v60  }
0x107: {  	v0 =	vadd.f32 v4, v0;
	v2 =	vmul.f32 $5.000000000e-01, v2;
	v3 =	vmul.f32 v3, v8  }
0x108: {  	v62 =	vsub.f32 $1.500000000e+00, v61;
	v5 =	vmul.f32 v7, v56  }
0x109: {  	[tilespmem:s2], [sflag:$0x1] =	stream.strided.gather [hbm4b:s5+s9], $0x1400, s10, s9, $0x38;
	v1 =	vmul.f32 $5.000000000e-01, v1;
	v0 =	vadd.f32 v2, v0;
	v2 =	vmul.f32 v3, v10;
	[tilespmem:$0x2880] =	vst v63  }
0x10a: {  	s15 =	simm.s32 $0x1;
	v63 =	vmul.f32 v5, v12  }
0x10b: {  	_ =	swait.ge [sflag:s15], $0x1400;
	v3 =	vmul.f32 v62, v48;
	v0 =	vadd.f32 v1, v0;
	v1 =	vmul.f32 $5.000000000e-01, v2  }
0x10c: {  	[sflag:s15] =	ssyncset.done $0x0  }
0x10d: {  	[sflag:s15] =	ssyncadd.s32 $0xFFFFEC00;
	v2 =	vmul.f32 v3, v18;
	v3 =	vmul.f32 $5.000000000e-01, v63;
	v0 =	vadd.f32 v1, v0  }
0x10e: {  	[tilespmem:s11], [sflag:$0x1] =	stream.strided.gather [hbm4b:s6+s9], $0x1400, s10, s9, $0x38;
	[tilespmem:$0x2880] =	vst v63  }
0x10f: {  	_ =	swait.ge [sflag:s15], $0x1400;
	v1 =	vmul.f32 $5.000000000e-01, v2;
	v0 =	vadd.f32 v3, v0  }
0x110: {  	[sflag:s15] =	ssyncset.done $0x0  }
0x111: {  	[sflag:s15] =	ssyncadd.s32 $0xFFFFEC00;
	v0 =	vadd.f32 v1, v0  }
.LBB2_8:
0x112: {  	s17 =	simm.s32 $0x0  }
0x113: {  	v5 =	vld [tilespmem:s17+$0x40]  }
0x114: {  	v6 =	vld [tilespmem:s17+$0x1440]  }
0x115: {  	v10 =	vld [tilespmem:s17+$0x20]  }
0x116: {  	s16 =	sadd.s32 $0xFFFFFFC0, s15;
	v11 =	vld [tilespmem:s17+$0x1420]  }
0x117: {  	s16 =	smin.u32 s15, s16;
	v12 =	vld [tilespmem:s17+$0x30]  }
0x118: {  	v13 =	vld [tilespmem:s17+$0x1430];
	s16 =	smul.u32 $0x50, s16  }
0x119: {  	v14 =	vld [tilespmem:s17+$0x1410]  }
0x11a: {  	v1 =	vld [tilespmem:s16+$0x1440]  }
0x11b: {  	v2 =	vld [tilespmem:s16+$0x40]  }
0x11c: {  	v3 =	vld [tilespmem:s16+$0x1430]  }
0x11d: {  	v9 =	vld [tilespmem:s16+$0x20]  }
0x11e: {  	v4 =	vld [tilespmem:s16+$0x1410]  }
0x11f: {  	v8 =	vld [tilespmem:s16+$0x1420]  }
0x120: {  	v7 =	vld [tilespmem:s16+$0x30]  }
0x121: {  	v1 =	vsub.f32 v6, v1;
	v6 =	vld [tilespmem:s16+$0x10]  }
0x122: {  	v2 =	vsub.f32 v5, v2;
	v9 =	vsub.f32 v10, v9;
	v10 =	vld [tilespmem:s17+$0x10];
	_ =	sdelay $0x1  }
0x123: {  	v8 =	vsub.f32 v11, v8;
	v1 =	vmul.f32 v1, v1;
	v2 =	vmul.f32 v2, v2  }
0x124: {  	v5 =	vld [tilespmem:s16+$0x0];
	v7 =	vsub.f32 v12, v7;
	v3 =	vsub.f32 v13, v3  }
0x125: {  	v11 =	vld [tilespmem:s17+$0x0];
	v8 =	vmul.f32 v8, v8;
	v1 =	vadd.f32 v1, v2;
	v2 =	vmul.f32 v9, v9  }
0x126: {  	v4 =	vsub.f32 v14, v4;
	v7 =	vmul.f32 v7, v7;
	v6 =	vsub.f32 v10, v6  }
0x127: {  	v3 =	vmul.f32 v3, v3;
	v9 =	vadd.f32 $9.999999710e-10, v1;
	v1 =	vadd.f32 v8, v2  }
0x128: {  	v4 =	vmul.f32 v4, v4  }
0x129: {  	v6 =	vmul.f32 v6, v6;
	v2 =	vadd.f32 $9.999999710e-10, v1;
	v1 =	vadd.f32 v3, v7;
	v3 =	vld [tilespmem:s16+$0x1400]  }
0x12a: {  	s31 =	simm.s32 $0x50;
	s15 =	sadd.s32 $0x1, s15;
	v5 =	vsub.f32 v11, v5;
	v8 =	vshra.s32 v9, $0x1;
	v7 =	vld [tilespmem:s17+$0x1400]  }
0x12b: {  	v22 =	vld [tilespmem:s31+$0x1440];
	s18 =	sadd.s32 $0xFFFFFFC0, s15;
	v12 =	vmul.f32 $5.000000000e-01, v9;
	v4 =	vadd.f32 v4, v6;
	v8 =	vsub.s32 $0x5F3759DF, v8  }
0x12c: {  	v57 =	vld [tilespmem:s31+$0x1430];
	s18 =	smin.u32 s15, s18;
	v10 =	vshra.s32 v2, $0x1;
	v11 =	vmul.f32 $5.000000000e-01, v2;
	v1 =	vadd.f32 $9.999999710e-10, v1  }
0x12d: {  	v28 =	vld [tilespmem:s31+$0x1420];
	s30 =	smul.u32 $0x50, s18;
	v5 =	vmul.f32 v5, v5;
	v16 =	vmul.f32 v8, v12;
	v10 =	vsub.s32 $0x5F3759DF, v10  }
0x12e: {  	v60 =	vld [tilespmem:s31+$0x10];
	v4 =	vadd.f32 $9.999999710e-10, v4;
	v6 =	vmul.f32 v10, v11;
	v15 =	vshra.s32 v1, $0x1  }
0x12f: {  	v13 =	vld [tilespmem:s30+$0x1440];
	v18 =	vmul.f32 $5.000000000e-01, v1;
	v3 =	vsub.f32 v7, v3;
	v7 =	vmul.f32 v8, v16  }
0x130: {  	v14 =	vld [tilespmem:s30+$0x40];
	v15 =	vsub.s32 $0x5F3759DF, v15;
	v20 =	vshra.s32 v4, $0x1;
	v21 =	vmul.f32 $5.000000000e-01, v4  }
0x131: {  	v16 =	vld [tilespmem:s31+$0x40];
	v6 =	vmul.f32 v10, v6;
	v20 =	vsub.s32 $0x5F3759DF, v20;
	v23 =	vmul.f32 v15, v18  }
0x132: {  	v17 =	vld [tilespmem:s30+$0x1430];
	v3 =	vmul.f32 v3, v3;
	v25 =	vmul.f32 v20, v21;
	v7 =	vsub.f32 $1.500000000e+00, v7  }
0x133: {  	v24 =	vld [tilespmem:s30+$0x30];
	v6 =	vsub.f32 $1.500000000e+00, v6;
	v23 =	vmul.f32 v15, v23  }
0x134: {  	v26 =	vld [tilespmem:s30+$0x1420];
	v3 =	vadd.f32 v3, v5;
	v5 =	vmul.f32 v20, v25;
	v7 =	vmul.f32 v8, v7  }
0x135: {  	v8 =	vsub.f32 v22, v13;
	v22 =	vld [tilespmem:s31+$0x20];
	v6 =	vmul.f32 v10, v6;
	v23 =	vsub.f32 $1.500000000e+00, v23  }
0x136: {  	v10 =	vld [tilespmem:s31+$0x30];
	v13 =	vsub.f32 v16, v14;
	v16 =	vsub.f32 $1.500000000e+00, v5;
	v12 =	vmul.f32 v7, v12  }
0x137: {  	v14 =	vld [tilespmem:s30+$0x20];
	v58 =	vmul.f32 v8, v8;
	v8 =	vadd.f32 $9.999999710e-10, v3;
	v11 =	vmul.f32 v6, v11  }
0x138: {  	v19 =	vld [tilespmem:s30+$0x1410];
	v3 =	vsub.f32 v57, v17;
	v5 =	vmul.f32 v15, v23;
	v15 =	vmul.f32 v13, v13  }
0x139: {  	v27 =	vld [tilespmem:s30+$0x0];
	v26 =	vsub.f32 v28, v26;
	v12 =	vmul.f32 v12, v7;
	v13 =	vmul.f32 $5.000000000e-01, v8  }
0x13a: {  	v17 =	vld [tilespmem:s31+$0x1410];
	v16 =	vmul.f32 v20, v16;
	v59 =	vshra.s32 v8, $0x1;
	v61 =	vmul.f32 v3, v3  }
0x13b: {  	v23 =	vld [tilespmem:s30+$0x10];
	v11 =	vmul.f32 v11, v6;
	v15 =	vadd.f32 v58, v15;
	v18 =	vmul.f32 v5, v18  }
0x13c: {  	v20 =	vld [tilespmem:s31+$0x0];
	v10 =	vsub.f32 v10, v24;
	v14 =	vsub.f32 v22, v14;
	v22 =	vsub.s32 $0x5F3759DF, v59  }
0x13d: {  	v21 =	vmul.f32 v16, v21;
	v12 =	vsub.f32 $1.500000000e+00, v12;
	v11 =	vsub.f32 $1.500000000e+00, v11  }
0x13e: {  	v3 =	vadd.f32 $9.999999710e-10, v15;
	v10 =	vmul.f32 v10, v10;
	v62 =	vmul.f32 v14, v14  }
0x13f: {  	v21 =	vmul.f32 v21, v16;
	v14 =	vsub.f32 v17, v19;
	v17 =	vmul.f32 v22, v13  }
0x140: {  	v7 =	vmul.f32 v12, v7;
	v12 =	vsub.f32 v60, v23;
	v15 =	vshra.s32 v3, $0x1  }
0x141: {  	v19 =	vsub.f32 v20, v27;
	v20 =	vmul.f32 v26, v26;
	v23 =	vmul.f32 v14, v14  }
0x142: {  	v17 =	vmul.f32 v22, v17;
	v10 =	vadd.f32 v61, v10;
	v12 =	vmul.f32 v12, v12  }
0x143: {  	v14 =	vmul.f32 v19, v19;
	v19 =	vsub.f32 $1.500000000e+00, v21;
	v63 =	vadd.f32 v20, v62  }
0x144: {  	v9 =	vmul.f32 v7, v9;
	v17 =	vsub.f32 $1.500000000e+00, v17;
	v10 =	vadd.f32 $9.999999710e-10, v10  }
0x145: {  	v21 =	vld [tilespmem:s30+$0x1400];
	v20 =	vadd.f32 v23, v12;
	v19 =	vmul.f32 v19, v16;
	v12 =	vadd.f32 $9.999999710e-10, v63  }
0x146: {  	s16 =	simm.s32 $0x280;
	s17 =	sadd.s32 $0x1, s15;
	v16 =	vmul.f32 v22, v17;
	v22 =	vld [tilespmem:s31+$0x1400];
	v17 =	vshra.s32 v10, $0x1;
	v7 =	vmul.f32 $5.000000000e-01, v10  }
.LBB2_9:
0x147: {  	s18 =	sadd.s32 $0xFFFFFFC0, s17  }
0x148: {  	p0 =	sne.s32 s16, $0x4EC0;
	v15 =	vsub.s32 $0x5F3759DF, v15;
	v23 =	vmul.f32 $5.000000000e-01, v3;
	v13 =	vmul.f32 v16, v13;
	s19 =	smov.u32 s16;
	s16 =	sadd.s32 $0x140, s16  }
0x149: {  	v18 =	vmul.f32 v18, v5;
	s18 =	smin.u32 s17, s18;
	v24 =	vshra.s32 v12, $0x1;
	v25 =	vmul.f32 $5.000000000e-01, v12  }
0x14a: {  	s18 =	smul.u32 $0x50, s18;
	v24 =	vsub.s32 $0x5F3759DF, v24;
	v26 =	vmul.f32 v15, v23;
	v13 =	vmul.f32 v13, v16  }
0x14b: {  	v19 =	vmul.f32 v19, v4;
	v21 =	vsub.f32 v22, v21;
	v22 =	vmul.f32 v24, v25  }
0x14c: {  	v4 =	vadd.f32 $9.999999710e-10, v20;
	s19 =	sshra.s32 s19, $0x2;
	v27 =	vld [tilespmem:s18+$0x1440];
	v20 =	vmul.f32 v15, v26;
	v13 =	vsub.f32 $1.500000000e+00, v13  }
0x14d: {  	v17 =	vsub.s32 $0x5F3759DF, v17;
	v6 =	vmul.f32 v11, v6;
	v26 =	vld [tilespmem:s18+$0x40];
	v22 =	vmul.f32 v24, v22  }
0x14e: {  	v28 =	vshra.s32 v4, $0x1;
	v11 =	vld [tilespmem:s18+$0x1430];
	v20 =	vsub.f32 $1.500000000e+00, v20;
	v13 =	vmul.f32 v13, v16  }
0x14f: {  	v29 =	vmul.f32 $5.000000000e-01, v4;
	v30 =	vmul.f32 v6, v2;
	v2 =	vmovc v12;
	v28 =	vsub.s32 $0x5F3759DF, v28;
	v16 =	vld [tilespmem:s18+$0x1410]  }
0x150: {  	v21 =	vmul.f32 v21, v21;
	v6 =	vsub.f32 $1.500000000e+00, v22;
	v22 =	vmul.f32 v17, v7;
	v12 =	vld [tilespmem:s19+$0x40]  }
0x151: {  	v32 =	vmul.f32 v28, v29;
	v8 =	vmul.f32 v13, v8;
	v13 =	vsub.f32 $1.500000000e+00, v18;
	v31 =	vld [tilespmem:s19+$0x1440]  }
0x152: {  	v6 =	vmul.f32 v24, v6;
	v22 =	vmul.f32 v17, v22;
	v18 =	vld [tilespmem:s18+$0x30]  }
0x153: {  	v14 =	vadd.f32 v21, v14;
	v21 =	vmul.f32 v28, v32;
	v0 =	vadd.f32 v8, v0;
	v24 =	vld [tilespmem:s19+$0x30]  }
0x154: {  	v5 =	vmul.f32 v13, v5;
	v8 =	vmul.f32 v6, v25;
	v22 =	vsub.f32 $1.500000000e+00, v22;
	v32 =	vld [tilespmem:s18+$0x1420]  }
0x155: {  	v20 =	vmul.f32 v15, v20;
	v0 =	vadd.f32 v19, v0;
	v13 =	vld [tilespmem:s19+$0x1430];
	v12 =	vsub.f32 v12, v26  }
0x156: {  	v25 =	vmul.f32 v8, v6;
	v26 =	vmul.f32 v5, v1;
	v1 =	vmovc v10;
	v19 =	vld [tilespmem:s18+$0x0];
	v15 =	vsub.f32 v31, v27  }
0x157: {  	v21 =	vsub.f32 $1.500000000e+00, v21;
	v23 =	vmul.f32 v20, v23;
	v0 =	vadd.f32 v30, v0;
	v10 =	vld [tilespmem:s18+$0x20]  }
0x158: {  	v5 =	vmul.f32 v17, v22;
	v27 =	vld [tilespmem:s19+$0x20];
	v18 =	vsub.f32 v24, v18;
	v15 =	vmul.f32 v15, v15  }
0x159: {  	v8 =	vadd.f32 $9.999999710e-10, v14;
	v12 =	vmul.f32 v12, v12;
	v0 =	vadd.f32 v26, v0;
	v17 =	vld [tilespmem:s18+$0x10]  }
0x15a: {  	v23 =	vmul.f32 v23, v20;
	v14 =	vld [tilespmem:s19+$0x1420];
	v22 =	vsub.f32 v13, v11;
	v18 =	vmul.f32 v18, v18  }
0x15b: {  	v26 =	vmul.f32 v28, v21;
	v13 =	vmul.f32 $5.000000000e-01, v8;
	v11 =	vsub.f32 $1.500000000e+00, v25;
	v24 =	vld [tilespmem:s19+$0x1410]  }
0x15c: {  	v12 =	vadd.f32 v15, v12;
	v15 =	vshra.s32 v8, $0x1;
	v0 =	vadd.f32 v9, v0;
	v21 =	vld [tilespmem:s19+$0x0]  }
0x15d: {  	v25 =	vsub.s32 $0x5F3759DF, v15;
	v15 =	vmul.f32 v26, v29;
	v9 =	vld [tilespmem:s19+$0x10];
	v10 =	vsub.f32 v27, v10  }
0x15e: {  	v23 =	vsub.f32 $1.500000000e+00, v23;
	v22 =	vmul.f32 v22, v22;
	v12 =	vadd.f32 $9.999999710e-10, v12  }
0x15f: {  	v27 =	vmul.f32 v15, v26;
	v14 =	vsub.f32 v14, v32;
	v10 =	vmul.f32 v10, v10  }
0x160: {  	v15 =	vshra.s32 v12, $0x1;
	v16 =	vsub.f32 v24, v16;
	v24 =	vmul.f32 v25, v13  }
0x161: {  	v23 =	vmul.f32 v23, v20;
	v19 =	vsub.f32 v21, v19;
	v21 =	vmul.f32 v14, v14  }
0x162: {  	v9 =	vsub.f32 v9, v17;
	v16 =	vmul.f32 v16, v16;
	v17 =	vmul.f32 v25, v24  }
.Ltmp3:
0x163: {  	v18 =	vadd.f32 v22, v18;
	v14 =	vmul.f32 v19, v19;
	v19 =	vsub.f32 $1.500000000e+00, v27;
	(pc) =	sbr.rel @p0 .LBB2_9-.Ltmp3, $4  }
0x164: {  	v24 =	vadd.f32 v21, v10;
	v9 =	vmul.f32 v9, v9;
	v17 =	vsub.f32 $1.500000000e+00, v17  }
0x165: {  	v10 =	vadd.f32 $9.999999710e-10, v18;
	v18 =	vmul.f32 v5, v7;
	v21 =	vld [tilespmem:s18+$0x1400];
	v19 =	vmul.f32 v19, v26  }
0x166: {  	v22 =	vld [tilespmem:s19+$0x1400];
	v20 =	vadd.f32 v16, v9;
	v16 =	vmul.f32 v25, v17;
	v9 =	vmul.f32 v23, v3;
	v3 =	vmovc v12  }
0x167: {  	s17 =	sadd.s32 $0x1, s17;
	v7 =	vmul.f32 $5.000000000e-01, v10;
	v12 =	vadd.f32 $9.999999710e-10, v24;
	v17 =	vshra.s32 v10, $0x1  }
0x168: {  	_ =	sdelay $0x2  }
0x169: {  	v21 =	vsub.f32 v22, v21;
	_ =	sdelay $0x1  }
0x16a: {  	v13 =	vmul.f32 v16, v13;
	v21 =	vmul.f32 v21, v21  }
0x16b: {  	v24 =	vmul.f32 $5.000000000e-01, v3;
	v4 =	vmul.f32 v19, v4  }
0x16c: {  	v44 =	vadd.f32 $9.999999710e-10, v20;
	v6 =	vmul.f32 v11, v6;
	v14 =	vadd.f32 v21, v14  }
0x16d: {  	v18 =	vmul.f32 v18, v5;
	v17 =	vsub.s32 $0x5F3759DF, v17;
	v42 =	vshra.s32 v12, $0x1  }
0x16e: {  	v23 =	vmul.f32 $5.000000000e-01, v12;
	v52 =	vmul.f32 v17, v7;
	v14 =	vadd.f32 $9.999999710e-10, v14  }
0x16f: {  	v13 =	vmul.f32 v13, v16;
	v25 =	vshra.s32 v44, $0x1;
	v26 =	vmul.f32 $5.000000000e-01, v44  }
0x170: {  	v2 =	vmul.f32 v6, v2;
	v46 =	vmul.f32 $5.000000000e-01, v14;
	v47 =	vshra.s32 v14, $0x1  }
0x171: {  	v18 =	vsub.f32 $1.500000000e+00, v18;
	v22 =	vsub.s32 $0x5F3759DF, v42;
	v21 =	vsub.s32 $0x5F3759DF, v47  }
0x172: {  	v48 =	vsub.s32 $0x5F3759DF, v25;
	v43 =	vmul.f32 v22, v23;
	v49 =	vmul.f32 v21, v46  }
0x173: {  	v13 =	vsub.f32 $1.500000000e+00, v13;
	v50 =	vmul.f32 v48, v26;
	v54 =	vmul.f32 v18, v5  }
0x174: {  	v45 =	vmul.f32 v22, v43;
	v25 =	vmul.f32 v21, v49  }
0x175: {  	v15 =	vsub.s32 $0x5F3759DF, v15;
	v13 =	vmul.f32 v13, v16;
	v6 =	vmul.f32 v48, v50  }
0x176: {  	v51 =	vmul.f32 v15, v24;
	v20 =	vsub.f32 $1.500000000e+00, v45;
	v25 =	vsub.f32 $1.500000000e+00, v25  }
0x177: {  	v1 =	vmul.f32 v54, v1;
	v8 =	vmul.f32 v13, v8;
	v6 =	vsub.f32 $1.500000000e+00, v6  }
0x178: {  	v20 =	vmul.f32 v22, v20;
	v21 =	vmul.f32 v21, v25  }
0x179: {  	v22 =	vmul.f32 v17, v52;
	v6 =	vmul.f32 v48, v6;
	v0 =	vadd.f32 v8, v0  }
0x17a: {  	v13 =	vmul.f32 v15, v51;
	v11 =	vmul.f32 v21, v46  }
0x17b: {  	v16 =	vmul.f32 v6, v26;
	v55 =	vsub.f32 $1.500000000e+00, v22;
	v0 =	vadd.f32 v4, v0  }
0x17c: {  	v53 =	vmul.f32 v20, v23;
	v56 =	vmul.f32 v11, v21  }
0x17d: {  	v58 =	vmul.f32 v16, v6;
	v0 =	vadd.f32 v2, v0;
	v2 =	vmul.f32 v17, v55  }
0x17e: {  	v57 =	vsub.f32 $1.500000000e+00, v13;
	v8 =	vmul.f32 v53, v20;
	v4 =	vsub.f32 $1.500000000e+00, v56  }
0x17f: {  	v5 =	vsub.f32 $1.500000000e+00, v58;
	v0 =	vadd.f32 v1, v0;
	v1 =	vmul.f32 v2, v7  }
0x180: {  	v11 =	vmul.f32 v15, v57;
	v4 =	vmul.f32 v4, v21  }
0x181: {  	v8 =	vsub.f32 $1.500000000e+00, v8;
	v5 =	vmul.f32 v5, v6;
	v1 =	vmul.f32 v1, v2  }
0x182: {  	v0 =	vadd.f32 v9, v0;
	v59 =	vmul.f32 v11, v24;
	v4 =	vmul.f32 v4, v14  }
0x183: {  	v61 =	vmul.f32 v8, v20;
	v5 =	vmul.f32 v5, v44  }
0x184: {  	v1 =	vsub.f32 $1.500000000e+00, v1;
	v60 =	vmul.f32 v59, v11;
	v0 =	vadd.f32 v4, v0  }
0x185: {  	v63 =	vmul.f32 v61, v12  }
0x186: {  	v1 =	vmul.f32 v1, v2;
	v62 =	vsub.f32 $1.500000000e+00, v60;
	v0 =	vadd.f32 v5, v0  }
0x187: {  	p0 =	sne.s32 s15, $0x20  }
.Ltmp4:
0x188: {  	v1 =	vmul.f32 v1, v10;
	v2 =	vmul.f32 v62, v11;
	v0 =	vadd.f32 v63, v0;
	(pc) =	sbr.rel @p0 .LBB2_8-.Ltmp4, $3  }
0x189: {  	_ = 	snop  }
0x18a: {  	v2 =	vmul.f32 v2, v3;
	v0 =	vadd.f32 v1, v0;
	_ =	sdelay $0x1  }
0x18b: {  	v0 =	vadd.f32 v2, v0  }
0x18c: {  	s15 =	simm.s32 $0x20  }
0x18d: {  	v1 =	vld [tilespmem:s15+$0xFFFFFFE0]  }
0x18e: {  	s16 =	simm.s32 $0x1420;
	v2 =	vld [tilespmem:s15+$0x20]  }
0x18f: {  	v3 =	vld [tilespmem:s16+$0x20]  }
0x190: {  	v4 =	vld [tilespmem:s16+$0x10]  }
0x191: {  	v5 =	vld [tilespmem:s15+$0xFFFFFFF0]  }
0x192: {  	p0 =	por $0x1, $0x1;
	s17 =	simm.s32 $0x20;
	v6 =	vld [tilespmem:s16+$0xFFFFFFF0]  }
0x193: {  	s17 =	simm.s32 @!p0 $0xFFFFFFE0;
	v7 =	vld [tilespmem:s15+$0x0]  }
0x194: {  	v10 =	vld [tilespmem:s16+$0x0];
	s17 =	sadd.s32 $0x0, s17  }
0x195: {  	s31 =	simm.s32 $0x70;
	v11 =	vld [tilespmem:s15+$0x10];
	s17 =	smul.u32 $0x50, s17  }
0x196: {  	v23 =	vld [tilespmem:s31+$0x10]  }
0x197: {  	v8 =	vld [tilespmem:s17+$0x1440]  }
0x198: {  	v9 =	vld [tilespmem:s17+$0x40]  }
0x199: {  	v12 =	vld [tilespmem:s17+$0x30]  }
0x19a: {  	v13 =	vld [tilespmem:s17+$0x1430]  }
0x19b: {  	v14 =	vld [tilespmem:s17+$0x1420]  }
0x19c: {  	v15 =	vld [tilespmem:s17+$0x20]  }
0x19d: {  	v16 =	vld [tilespmem:s17+$0x1410]  }
0x19e: {  	v17 =	vld [tilespmem:s17+$0x10]  }
0x19f: {  	v18 =	vld [tilespmem:s17+$0x0];
	v3 =	vsub.f32 v3, v8  }
0x1a0: {  	v8 =	vld [tilespmem:s16+$0xFFFFFFE0];
	v2 =	vsub.f32 v2, v9;
	v11 =	vsub.f32 v11, v12  }
0x1a1: {  	s15 =	simm.s32 $0x1470;
	v9 =	vld [tilespmem:s17+$0x1400];
	v4 =	vsub.f32 v4, v13;
	v10 =	vsub.f32 v10, v14  }
0x1a2: {  	v21 =	vld [tilespmem:s15+$0x0];
	v7 =	vsub.f32 v7, v15;
	v6 =	vsub.f32 v6, v16  }
0x1a3: {  	p0 =	por $0x1, $0x1;
	v5 =	vsub.f32 v5, v17;
	v14 =	vld [tilespmem:s31+$0x20];
	s17 =	simm.s32 $0x20;
	v4 =	vmul.f32 v4, v4;
	v11 =	vmul.f32 v11, v11  }
0x1a4: {  	v1 =	vsub.f32 v1, v18;
	v15 =	vld [tilespmem:s15+$0x20];
	s17 =	simm.s32 @!p0 $0xFFFFFFE0;
	v3 =	vmul.f32 v3, v3;
	v2 =	vmul.f32 v2, v2  }
0x1a5: {  	v16 =	vld [tilespmem:s15+$0x10];
	v5 =	vmul.f32 v5, v5;
	v6 =	vmul.f32 v6, v6;
	s17 =	sadd.s32 $0x1, s17;
	v4 =	vadd.f32 v4, v11  }
0x1a6: {  	v18 =	vld [tilespmem:s31+$0x0];
	v7 =	vmul.f32 v7, v7;
	s17 =	smul.u32 $0x50, s17;
	v3 =	vadd.f32 v3, v2;
	v8 =	vsub.f32 v8, v9  }
0x1a7: {  	v1 =	vmul.f32 v1, v1;
	v5 =	vadd.f32 v6, v5;
	v11 =	vld [tilespmem:s15+$0xFFFFFFF0];
	v9 =	vmul.f32 v10, v10  }
0x1a8: {  	v17 =	vld [tilespmem:s17+$0x1440];
	v2 =	vadd.f32 $9.999999710e-10, v4;
	v4 =	vadd.f32 $9.999999710e-10, v3;
	v6 =	vmul.f32 v8, v8  }
0x1a9: {  	v19 =	vld [tilespmem:s17+$0x40];
	v7 =	vadd.f32 v9, v7  }
0x1aa: {  	v26 =	vld [tilespmem:s17+$0x30];
	v3 =	vshra.s32 v2, $0x1;
	v20 =	vmul.f32 $5.000000000e-01, v4;
	v9 =	vadd.f32 v6, v1  }
0x1ab: {  	v28 =	vld [tilespmem:s17+$0x1430];
	v6 =	vmul.f32 $5.000000000e-01, v2;
	v8 =	vsub.s32 $0x5F3759DF, v3;
	v3 =	vshra.s32 v4, $0x1  }
0x1ac: {  	v30 =	vld [tilespmem:s17+$0x1420];
	v1 =	vadd.f32 $9.999999710e-10, v5;
	v22 =	vsub.s32 $0x5F3759DF, v3;
	v3 =	vadd.f32 $9.999999710e-10, v7  }
0x1ad: {  	v33 =	vld [tilespmem:s17+$0x20];
	v15 =	vsub.f32 v15, v17;
	v5 =	vadd.f32 $9.999999710e-10, v9;
	v9 =	vmul.f32 v8, v6  }
0x1ae: {  	v35 =	vld [tilespmem:s17+$0x1410];
	v24 =	vmul.f32 $5.000000000e-01, v1;
	v13 =	vshra.s32 v1, $0x1;
	v25 =	vmul.f32 v22, v20  }
0x1af: {  	v14 =	vsub.f32 v14, v19;
	v27 =	vsub.s32 $0x5F3759DF, v13;
	v7 =	vmul.f32 v8, v9  }
0x1b0: {  	v23 =	vsub.f32 v23, v26;
	v9 =	vmul.f32 v27, v24;
	v25 =	vmul.f32 v22, v25  }
0x1b1: {  	v12 =	vld [tilespmem:s31+$0xFFFFFFE0];
	v16 =	vsub.f32 v16, v28;
	v21 =	vsub.f32 v21, v30  }
0x1b2: {  	v10 =	vld [tilespmem:s31+$0xFFFFFFF0];
	v18 =	vsub.f32 v18, v33;
	v25 =	vsub.f32 $1.500000000e+00, v25;
	v34 =	vmul.f32 v27, v9  }
0x1b3: {  	v19 =	vld [tilespmem:s17+$0x10];
	v11 =	vsub.f32 v11, v35;
	v63 =	vmul.f32 v15, v15;
	v14 =	vmul.f32 v14, v14  }
0x1b4: {  	v28 =	vld [tilespmem:s15+$0xFFFFFFE0];
	v16 =	vmul.f32 v16, v16;
	v17 =	vmul.f32 v22, v25;
	v22 =	vsub.f32 $1.500000000e+00, v34  }
0x1b5: {  	v32 =	vshra.s32 v3, $0x1;
	v23 =	vmul.f32 v23, v23;
	v18 =	vmul.f32 v18, v18;
	v25 =	vld [tilespmem:s17+$0x0]  }
0x1b6: {  	v11 =	vmul.f32 v11, v11;
	v29 =	vshra.s32 v5, $0x1;
	v15 =	vmul.f32 v27, v22;
	v22 =	vld [tilespmem:s17+$0x1400]  }
0x1b7: {  	v21 =	vmul.f32 v21, v21;
	v31 =	vmul.f32 $5.000000000e-01, v5;
	v29 =	vsub.s32 $0x5F3759DF, v29  }
0x1b8: {  	v16 =	vadd.f32 v16, v23;
	v13 =	vsub.f32 $1.500000000e+00, v7;
	v7 =	vmul.f32 $5.000000000e-01, v3  }
0x1b9: {  	v9 =	vsub.s32 $0x5F3759DF, v32;
	v10 =	vsub.f32 v10, v19;
	v19 =	vmul.f32 v29, v31  }
0x1ba: {  	v18 =	vadd.f32 v21, v18;
	v26 =	vmul.f32 v9, v7;
	v20 =	vmul.f32 v17, v20  }
0x1bb: {  	v10 =	vmul.f32 v10, v10;
	v12 =	vsub.f32 v12, v25;
	v23 =	vsub.f32 v28, v22  }
0x1bc: {  	v20 =	vmul.f32 v20, v17;
	v25 =	vadd.f32 v63, v14;
	v14 =	vmul.f32 v29, v19  }
0x1bd: {  	v10 =	vadd.f32 v11, v10;
	v11 =	vmul.f32 v12, v12;
	v12 =	vmul.f32 v23, v23  }
0x1be: {  	v27 =	vsub.f32 $1.500000000e+00, v20;
	v19 =	vsub.f32 $1.500000000e+00, v14  }
0x1bf: {  	v22 =	vmul.f32 v9, v26;
	v14 =	vadd.f32 $9.999999710e-10, v16;
	v11 =	vadd.f32 v12, v11  }
0x1c0: {  	v23 =	vmul.f32 v15, v24;
	v21 =	vmul.f32 v29, v19;
	v12 =	vadd.f32 $9.999999710e-10, v10  }
0x1c1: {  	v20 =	vmul.f32 $5.000000000e-01, v14;
	v10 =	vadd.f32 $9.999999710e-10, v18;
	v16 =	vadd.f32 $9.999999710e-10, v11  }
0x1c2: {  	v23 =	vmul.f32 v23, v15;
	v18 =	vshra.s32 v14, $0x1;
	v26 =	vmul.f32 v21, v31  }
0x1c3: {  	s18 =	simm.s32 $0x2;
	s16 =	simm.s32 $0xC0;
	v24 =	vsub.s32 $0x5F3759DF, v18;
	v19 =	vshra.s32 v16, $0x1;
	v11 =	vmul.f32 $5.000000000e-01, v16  }
.LBB2_12:
0x1c4: {  	p0 =	slt.u32 s18, $0x20;
	s15 =	sadd.s32 $0x50, s15  }
0x1c5: {  	v28 =	vld [tilespmem:s16+$0xFFFFFFE0];
	v18 =	vmul.f32 $5.000000000e-01, v12;
	v25 =	vadd.f32 $9.999999710e-10, v25;
	v29 =	vmul.f32 v8, v13;
	v8 =	vmovc v24;
	s19 =	smov.u32 s18;
	s17 =	sadd.s32 $0x1, s18;
	s20 =	simm.s32 $0x20  }
0x1c6: {  	v13 =	vshra.s32 v12, $0x1;
	v17 =	vmul.f32 v27, v17;
	s20 =	simm.s32 @!p0 $0xFFFFFFE0;
	v24 =	vld [tilespmem:s16+$0x20];
	p0 =	sne.s32 s18, $0x3F;
	v30 =	vmul.f32 v8, v20  }
0x1c7: {  	v26 =	vmul.f32 v26, v21;
	s18 =	sadd.s32 s19, s20;
	v27 =	vld [tilespmem:s15+$0x20];
	v31 =	vshra.s32 v25, $0x1;
	v32 =	vmul.f32 v29, v6;
	v6 =	vmovc v20  }
0x1c8: {  	v33 =	vshra.s32 v10, $0x1;
	v22 =	vsub.f32 $1.500000000e+00, v22;
	s18 =	smul.u32 $0x50, s18;
	v20 =	vld [tilespmem:s15+$0x10];
	v30 =	vmul.f32 v8, v30  }
0x1c9: {  	v35 =	vsub.s32 $0x5F3759DF, v13;
	v31 =	vsub.s32 $0x5F3759DF, v31;
	v34 =	vld [tilespmem:s16+$0xFFFFFFF0];
	v32 =	vmul.f32 v32, v29  }
0x1ca: {  	v37 =	vmul.f32 v35, v18;
	v36 =	vld [tilespmem:s15+$0xFFFFFFF0];
	v13 =	vsub.f32 $1.500000000e+00, v30;
	v30 =	vmul.f32 $5.000000000e-01, v25  }
0x1cb: {  	v39 =	vmul.f32 $5.000000000e-01, v10;
	v26 =	vsub.f32 $1.500000000e+00, v26;
	v38 =	vld [tilespmem:s16+$0x0];
	v32 =	vsub.f32 $1.500000000e+00, v32  }
0x1cc: {  	v23 =	vsub.f32 $1.500000000e+00, v23;
	v22 =	vmul.f32 v9, v22;
	v40 =	vld [tilespmem:s18+$0x1440];
	v41 =	vmul.f32 v31, v30  }
0x1cd: {  	v9 =	vsub.s32 $0x5F3759DF, v33;
	v21 =	vmul.f32 v26, v21;
	v42 =	vld [tilespmem:s18+$0x40];
	v26 =	vmul.f32 v32, v29  }
0x1ce: {  	v15 =	vmul.f32 v23, v15;
	v29 =	vld [tilespmem:s15+$0x0];
	v32 =	vmul.f32 v31, v41  }
0x1cf: {  	v33 =	vmul.f32 v9, v39;
	v41 =	vmul.f32 v22, v7;
	v7 =	vmov v39;
	v23 =	vld [tilespmem:s16+$0x10]  }
0x1d0: {  	v43 =	vmul.f32 v17, v4;
	v4 =	vmovc v25;
	v21 =	vmul.f32 v21, v5;
	v5 =	vmovc v16;
	v39 =	vld [tilespmem:s18+$0x30];
	v32 =	vsub.f32 $1.500000000e+00, v32  }
0x1d1: {  	v26 =	vmul.f32 v26, v2;
	v2 =	vmovc v14;
	v16 =	vld [tilespmem:s18+$0x1430];
	v25 =	vsub.f32 v27, v40;
	v27 =	vmul.f32 v35, v37  }
0x1d2: {  	v14 =	vld [tilespmem:s18+$0x1420];
	v24 =	vsub.f32 v24, v42;
	v17 =	vmul.f32 v31, v32;
	v31 =	vmul.f32 $5.000000000e-01, v43  }
0x1d3: {  	v19 =	vsub.s32 $0x5F3759DF, v19;
	v37 =	vmul.f32 v41, v22;
	v32 =	vld [tilespmem:s18+$0x20];
	v25 =	vmul.f32 v25, v25  }
0x1d4: {  	v41 =	vmul.f32 v15, v1;
	v1 =	vmovc v12;
	v27 =	vsub.f32 $1.500000000e+00, v27;
	v40 =	vld [tilespmem:s18+$0x1410];
	v24 =	vmul.f32 v24, v24  }
0x1d5: {  	v37 =	vsub.f32 $1.500000000e+00, v37;
	v30 =	vmul.f32 v17, v30;
	v12 =	vld [tilespmem:s18+$0x10];
	v23 =	vsub.f32 v23, v39  }
0x1d6: {  	v15 =	vmul.f32 v35, v27;
	v39 =	vld [tilespmem:s18+$0x0];
	v16 =	vsub.f32 v20, v16;
	v20 =	vmul.f32 $5.000000000e-01, v21  }
0x1d7: {  	v22 =	vmul.f32 v37, v22;
	v21 =	vmul.f32 $5.000000000e-01, v41;
	v14 =	vsub.f32 v29, v14  }
0x1d8: {  	v27 =	vld [tilespmem:s15+$0xFFFFFFE0];
	v29 =	vsub.f32 v38, v32;
	v16 =	vmul.f32 v16, v16;
	v0 =	vadd.f32 v20, v0  }
0x1d9: {  	v23 =	vmul.f32 v23, v23;
	v22 =	vmul.f32 v22, v3;
	v3 =	vmovc v10;
	v20 =	vld [tilespmem:s18+$0x1400];
	v32 =	vsub.f32 v36, v40  }
0x1da: {  	v10 =	vsub.f32 v34, v12;
	v12 =	vmul.f32 v29, v29;
	v0 =	vadd.f32 v21, v0  }
0x1db: {  	v22 =	vmul.f32 $5.000000000e-01, v22;
	v21 =	vsub.f32 v28, v39;
	v28 =	vmul.f32 v19, v11  }
0x1dc: {  	v16 =	vadd.f32 v16, v23;
	v23 =	vmul.f32 $5.000000000e-01, v26;
	v10 =	vmul.f32 v10, v10  }
0x1dd: {  	v14 =	vmul.f32 v14, v14;
	v26 =	vmul.f32 v32, v32;
	v0 =	vadd.f32 v22, v0  }
0x1de: {  	v25 =	vadd.f32 v25, v24;
	v24 =	vmul.f32 v19, v28;
	v20 =	vsub.f32 v27, v20  }
0x1df: {  	v22 =	vmul.f32 v9, v33;
	v10 =	vadd.f32 v26, v10;
	v0 =	vadd.f32 v23, v0  }
0x1e0: {  	v21 =	vmul.f32 v21, v21;
	v23 =	vsub.f32 $1.500000000e+00, v24;
	v20 =	vmul.f32 v20, v20  }
0x1e1: {  	v18 =	vmul.f32 v15, v18;
	v24 =	vadd.f32 v14, v12;
	v0 =	vadd.f32 v31, v0  }
.Ltmp5:
0x1e2: {  	v26 =	vmul.f32 v30, v17;
	v14 =	vadd.f32 $9.999999710e-10, v16;
	v20 =	vadd.f32 v20, v21;
	(pc) =	sbr.rel @p0 .LBB2_12-.Ltmp5, $4  }
0x1e3: {  	v12 =	vadd.f32 $9.999999710e-10, v10;
	v10 =	vadd.f32 $9.999999710e-10, v24;
	v21 =	vmul.f32 v19, v23  }
0x1e4: {  	v27 =	vsub.f32 $1.500000000e+00, v26;
	v23 =	vmul.f32 v18, v15;
	v16 =	vadd.f32 $9.999999710e-10, v20  }
0x1e5: {  	v18 =	vshra.s32 v14, $0x1;
	v20 =	vmul.f32 $5.000000000e-01, v14;
	v26 =	vmul.f32 v21, v11  }
0x1e6: {  	s16 =	sadd.s32 $0x50, s16;
	s18 =	smov.u32 s17;
	v24 =	vsub.s32 $0x5F3759DF, v18;
	v19 =	vshra.s32 v16, $0x1;
	v11 =	vmul.f32 $5.000000000e-01, v16  }
0x1e7: {  	v8 =	vmul.f32 v8, v13  }
0x1e8: {  	v59 =	vmul.f32 $5.000000000e-01, v12;
	v18 =	vadd.f32 $9.999999710e-10, v25;
	v60 =	vmul.f32 v24, v20  }
0x1e9: {  	v28 =	vshra.s32 v12, $0x1;
	v17 =	vmul.f32 v27, v17;
	v26 =	vmul.f32 v26, v21  }
0x1ea: {  	v22 =	vsub.f32 $1.500000000e+00, v22;
	v31 =	vmul.f32 $5.000000000e-01, v10;
	v19 =	vsub.s32 $0x5F3759DF, v19  }
0x1eb: {  	v28 =	vsub.s32 $0x5F3759DF, v28;
	v35 =	vmul.f32 v19, v11;
	v6 =	vmul.f32 v8, v6  }
0x1ec: {  	v23 =	vsub.f32 $1.500000000e+00, v23;
	v25 =	vmul.f32 v24, v60;
	v29 =	vmul.f32 v28, v59  }
0x1ed: {  	v61 =	vshra.s32 v18, $0x1;
	v30 =	vmul.f32 $5.000000000e-01, v18;
	v9 =	vmul.f32 v9, v22  }
0x1ee: {  	v26 =	vsub.f32 $1.500000000e+00, v26;
	v15 =	vmul.f32 v23, v15;
	v4 =	vmul.f32 v17, v4  }
0x1ef: {  	v27 =	vsub.s32 $0x5F3759DF, v61;
	v37 =	vmul.f32 v19, v35;
	v6 =	vmul.f32 v6, v8  }
0x1f0: {  	v62 =	vshra.s32 v10, $0x1;
	v32 =	vmul.f32 v27, v30;
	v63 =	vmul.f32 v26, v21  }
0x1f1: {  	v26 =	vsub.s32 $0x5F3759DF, v62;
	v7 =	vmul.f32 v9, v7;
	v36 =	vmul.f32 v28, v29  }
0x1f2: {  	v4 =	vmul.f32 $5.000000000e-01, v4;
	v1 =	vmul.f32 v15, v1;
	v6 =	vsub.f32 $1.500000000e+00, v6  }
0x1f3: {  	v34 =	vmul.f32 v26, v31;
	v33 =	vmul.f32 v27, v32  }
0x1f4: {  	v41 =	vsub.f32 $1.500000000e+00, v25;
	v5 =	vmul.f32 v63, v5;
	v6 =	vmul.f32 v6, v8  }
0x1f5: {  	v7 =	vmul.f32 v7, v9;
	v17 =	vsub.f32 $1.500000000e+00, v36;
	v1 =	vmul.f32 $5.000000000e-01, v1  }
0x1f6: {  	v47 =	vmul.f32 v24, v41;
	v2 =	vmul.f32 v6, v2;
	v6 =	vsub.f32 $1.500000000e+00, v37  }
0x1f7: {  	v40 =	vmul.f32 v26, v34;
	v22 =	vsub.f32 $1.500000000e+00, v33;
	v17 =	vmul.f32 v28, v17  }
0x1f8: {  	v7 =	vsub.f32 $1.500000000e+00, v7;
	v5 =	vmul.f32 $5.000000000e-01, v5;
	v6 =	vmul.f32 v19, v6  }
0x1f9: {  	v49 =	vmul.f32 v47, v20;
	v43 =	vsub.f32 $1.500000000e+00, v40;
	v38 =	vmul.f32 v27, v22  }
0x1fa: {  	v7 =	vmul.f32 v7, v9;
	v42 =	vmul.f32 v6, v11  }
0x1fb: {  	v44 =	vmul.f32 v17, v59;
	v8 =	vmul.f32 v26, v43  }
0x1fc: {  	v0 =	vadd.f32 v5, v0;
	v3 =	vmul.f32 v7, v3;
	v45 =	vmul.f32 v42, v6  }
0x1fd: {  	v46 =	vmul.f32 v44, v17;
	v48 =	vmul.f32 v8, v31  }
0x1fe: {  	v0 =	vadd.f32 v1, v0;
	v3 =	vmul.f32 $5.000000000e-01, v3;
	v7 =	vsub.f32 $1.500000000e+00, v45  }
0x1ff: {  	v39 =	vmul.f32 v38, v30;
	v1 =	vsub.f32 $1.500000000e+00, v46;
	v51 =	vmul.f32 v48, v8  }
0x200: {  	v2 =	vmul.f32 $5.000000000e-01, v2;
	v0 =	vadd.f32 v3, v0;
	v50 =	vmul.f32 v7, v6  }
0x201: {  	v52 =	vmul.f32 v49, v47;
	v1 =	vmul.f32 v1, v17;
	v54 =	vsub.f32 $1.500000000e+00, v51  }
0x202: {  	v55 =	vmul.f32 v39, v38;
	v0 =	vadd.f32 v2, v0;
	v53 =	vmul.f32 v50, v16  }
0x203: {  	v1 =	vmul.f32 v1, v12;
	v3 =	vmul.f32 v54, v8  }
0x204: {  	v7 =	vsub.f32 $1.500000000e+00, v52;
	v0 =	vadd.f32 v4, v0;
	v2 =	vmul.f32 $5.000000000e-01, v53  }
0x205: {  	v56 =	vsub.f32 $1.500000000e+00, v55;
	v1 =	vmul.f32 $5.000000000e-01, v1  }
0x206: {  	v57 =	vmul.f32 v3, v10;
	v5 =	vmul.f32 v7, v47;
	v0 =	vadd.f32 v2, v0  }
0x207: {  	v58 =	vmul.f32 v56, v38  }
0x208: {  	v60 =	vmul.f32 $5.000000000e-01, v57;
	v59 =	vmul.f32 v5, v14;
	v0 =	vadd.f32 v1, v0;
	_ =	sdelay $0x1  }
0x209: {  	v61 =	vmul.f32 v58, v18;
	v62 =	vmul.f32 $5.000000000e-01, v59;
	v0 =	vadd.f32 v60, v0;
	_ =	sdelay $0x1  }
0x20a: {  	v63 =	vmul.f32 $5.000000000e-01, v61;
	v0 =	vadd.f32 v62, v0;
	_ =	sdelay $0x1  }
0x20b: {  	s14 =	sadd.s32 $0x1, s14;
	v0 =	vadd.f32 v63, v0  }
0x20c: {  	p0 =	sne.s32 s14, s8  }
.Ltmp6:
0x20d: {  	[tilespmem:$0x2800] =	vst v0;
	(pc) =	sbr.rel @p0 .LBB2_1-.Ltmp6, $4  }
0x20e: {  	[hbm4b:s7+s2] =	stream.linear.scatter [tilespmem:s12], [sflag:$0x1], $0x80, $0x38;
	[tilespmem:$0x2880] =	vst v63  }
0x20f: {  	_ =	swait.ge [sflag:s13], $0x80  }
0x210: {  	[sflag:s13] =	ssyncset.done $0x0  }
0x211: {  	[sflag:s13] =	ssyncadd.s32 $0xFFFFFF80  }
0x212: {  	_ =	sfence.sel $0x180000  }
0x213: {  	[bflag:$0x0] =	sbarrier.arrive $0xFFFF  }
0x214: {  	p0 =	sne.s32 s1, $0x0;
	_ =	strace $0x90000047  }
0x215: {  	s0 =	sadd.s32 @!p0 $0x100000, s0;
	[bflag:$0x2] =	sbarrier.arrive $0xFFFF  }
0x216: {  	[sflag:s0] =	ssyncadd.tile.s32 @!p0 $0x1;
	_ =	shalt  }
.Lfunc_end2:
_tile_overlayer_lowered:
.L_overlay_start_2:
0x217: {  	(tag) =	ssettag $0x2  }
0x218: {  	s0 =	rddreg [dreg:$0x0];
	s2 =	stileid.u32  }
0x219: {  	s1 =	rddreg [dreg:$0x1];
	p0 =	sne.s32 s2, $0x0  }
0x21a: {  	s3 =	rddreg [dreg:$0x2];
	[bflag:$0x3] =	sbarrier.arrive $0xFFFF;
	s2 =	simm.s32 @!p0 $0x1C02  }
0x21b: {  	[timem:s3], [sflag:s2] =	dma.local @!p0 [hbm:s0], s1  }
0x21c: {  	s0 =	simm.s32 @!p0 $0x2  }
0x21d: {  	_ =	swait.ge @!p0 [sflag:s0], s1  }
0x21e: {  	s1 =	ssub.s32 @!p0 $0x0, s1;
	[sflag:s0] =	ssyncset.done @!p0 $0x0  }
0x21f: {  	[sflag:s0] =	ssyncadd.s32 @!p0 s1  }
0x220: {  	[bflag:$0x3] =	sbarrier.arrive $0xFFFF  }
0x221: {  	_ =	shalt  }

</sc_bundles>
